<compile_context>
chip_gen: v7x
topology: tpu7x:2x2x1
jax: 0.10.2.dev20260603
libtpu: 0.0.44.dev20260713+nightly
codegen_flags: <defaults>
</compile_context>

<pallas_src>
import functools

import jax
import jax.numpy as jnp
from jax import lax
from jax.experimental import pallas as pl
from jax.experimental.pallas import tpu as pltpu
from jax.experimental.pallas import tpu_sc as plsc

_LOG2_IFUS = 10


@functools.lru_cache(maxsize=None)
def _build(n_obs: int, table_n: int):
    info = plsc.get_sparse_core_info()
    nc, ns, nl = info.num_cores, info.num_subcores, info.num_lanes
    nw = nc * ns
    per_w = n_obs // nw
    chunk = 4096
    n_chunks = per_w // chunk
    n_pairs = n_chunks // 2
    seg = table_n // ns
    mesh = plsc.VectorSubcoreMesh(core_axis_name="c", subcore_axis_name="s")

    @functools.partial(
        pl.kernel,
        out_type=jax.ShapeDtypeStruct((n_obs,), jnp.float32),
        mesh=mesh,
        scratch_types=[
            pltpu.VMEM_SHARED((table_n,), jnp.float32),
            pltpu.VMEM((chunk,), jnp.int32),
            pltpu.VMEM((chunk,), jnp.int32),
            pltpu.VMEM((chunk,), jnp.int32),
            pltpu.VMEM((chunk,), jnp.int32),
            pltpu.VMEM((chunk,), jnp.int32),
            pltpu.VMEM((chunk,), jnp.int32),
            pltpu.VMEM((chunk,), jnp.float32),
            pltpu.VMEM((chunk,), jnp.float32),
            pltpu.SemaphoreType.DMA,
            pltpu.SemaphoreType.DMA,
            pltpu.SemaphoreType.DMA,
            pltpu.SemaphoreType.DMA,
            pltpu.SemaphoreType.DMA,
            pltpu.SemaphoreType.DMA,
        ],
    )
    def gather_kernel(tile_hbm, ifu_hbm, table_hbm, out_hbm,
                      table_sh, t0, t1, i0, i1, f0, f1, v0, v1,
                      sin0, sin1, sg0, sg1, so0, so1):
        sid = lax.axis_index("s")
        cid = lax.axis_index("c")
        wid = sid * nc + cid
        base = wid * per_w

        t_v, i_v, f_v, vals_v = (t0, t1), (i0, i1), (f0, f1), (v0, v1)
        sem_in, sem_g, sem_out = (sin0, sin1), (sg0, sg1), (so0, so1)

        def off(g):
            return pl.multiple_of(base + g * chunk, chunk)

        def start_in(g, b):
            pltpu.async_copy(tile_hbm.at[pl.ds(off(g), chunk)], t_v[b], sem_in[b])
            pltpu.async_copy(ifu_hbm.at[pl.ds(off(g), chunk)], i_v[b], sem_in[b])

        def wait_in(g, b):
            pltpu.make_async_copy(tile_hbm.at[pl.ds(off(g), chunk)], t_v[b], sem_in[b]).wait()
            pltpu.make_async_copy(ifu_hbm.at[pl.ds(off(g), chunk)], i_v[b], sem_in[b]).wait()

        def compute_flat(b):
            def vec_body(j, c):
                s = pl.ds(pl.multiple_of(j * nl, nl), nl)
                f_v[b][s] = (t_v[b][s] << _LOG2_IFUS) | i_v[b][s]
                return c
            lax.fori_loop(0, chunk // nl, vec_body, 0, unroll=8)

        def start_gather(g, b):
            pltpu.async_copy(table_sh.at[f_v[b]], vals_v[b], sem_g[b])

        def wait_gather(b):
            pltpu.make_async_copy(table_sh.at[f_v[b]], vals_v[b], sem_g[b]).wait()

        def start_out(g, b):
            pltpu.async_copy(vals_v[b], out_hbm.at[pl.ds(off(g), chunk)], sem_out[b])

        def wait_out(g, b):
            pltpu.make_async_copy(vals_v[b], out_hbm.at[pl.ds(off(g), chunk)], sem_out[b]).wait()

        start_in(0, 0)
        pltpu.sync_copy(table_hbm.at[pl.ds(sid * seg, seg)],
                        table_sh.at[pl.ds(sid * seg, seg)])
        plsc.subcore_barrier()

        def slot(g, b):
            @pl.when(g + 1 < n_chunks)
            def _():
                start_in(g + 1, 1 - b)
            wait_in(g, b)
            compute_flat(b)

            @pl.when(g >= 2)
            def _():
                wait_out(g - 2, b)
            start_gather(g, b)

            @pl.when(g >= 1)
            def _():
                wait_gather(1 - b)
                start_out(g - 1, 1 - b)

        def pair_body(p, carry):
            slot(2 * p, 0)
            slot(2 * p + 1, 1)
            return carry

        lax.fori_loop(0, n_pairs, pair_body, 0)

        g_last = n_chunks - 1
        wait_gather(1)
        start_out(g_last, 1)
        wait_out(g_last - 1, 0)
        wait_out(g_last, 1)

    return gather_kernel


def kernel(tile_idx, ifu_idx, ifu_values):
    n_obs = tile_idx.shape[0]
    n_tiles, n_ifus = ifu_values.shape
    table = ifu_values.reshape(n_tiles * n_ifus)
    fn = _build(n_obs, n_tiles * n_ifus)
    return fn(tile_idx.astype(jnp.int32), ifu_idx.astype(jnp.int32), table)

# --- scband reference (transcript-rebuilt; emitter-appended) ---
"""Pipeline reference for scband-per-ifuand-tile-80676665688647 (READ-ONLY COPY).

The authoritative reference and input builder live on the scoring server;
editing this copy changes nothing except your own understanding.
"""

import jax, jax.numpy as jnp
import numpy as np

N_TILES = 1024
N_IFUS = 1024
N_OBS = 4194304


def setup_inputs(seed: int = 0) -> dict:
    key = jax.random.key(seed)
    k1, k2, k3 = jax.random.split(key, 3)
    tile_idx = jax.random.randint(k1, (N_OBS,), 0, N_TILES, dtype=jnp.int64 if jax.config.jax_enable_x64 else jnp.int32)
    ifu_idx = jax.random.randint(k2, (N_OBS,), 0, N_IFUS, dtype=jnp.int64 if jax.config.jax_enable_x64 else jnp.int32)
    ifu_values = jax.random.normal(k3, (N_TILES, N_IFUS), dtype=jnp.float32)
    return {"tile_idx": tile_idx, "ifu_idx": ifu_idx, "ifu_values": ifu_values}


def reference(tile_idx, ifu_idx, ifu_values):
    # PerIFUAndTile.__call__: advanced-index gather on the (n_tiles, n_ifus) parameter grid
    return ifu_values[tile_idx, ifu_idx]

if __name__ == "__main__":
    import jax
    _d = setup_inputs()
    print(jax.jit(kernel)(*tuple(_d.values())))

</pallas_src>

<mosaic_0001>
#map = affine_map<(d0, d1) -> (0)>
module attributes {stable_mosaic.version = 14 : i64} {
  func.func @gather_kernel(%arg0: i32, %arg1: i32, %arg2: memref<4194304xi32, #tpu.memory_space<hbm>>, %arg3: memref<4194304xi32, #tpu.memory_space<hbm>>, %arg4: memref<1048576xf32, #tpu.memory_space<hbm>>, %arg5: memref<4194304xf32, #tpu.memory_space<hbm>>, %arg6: memref<1048576xf32, #tpu.memory_space<vmem_shared>>, %arg7: memref<4096xi32, #tpu.memory_space<vmem>>, %arg8: memref<4096xi32, #tpu.memory_space<vmem>>, %arg9: memref<4096xi32, #tpu.memory_space<vmem>>, %arg10: memref<4096xi32, #tpu.memory_space<vmem>>, %arg11: memref<4096xi32, #tpu.memory_space<vmem>>, %arg12: memref<4096xi32, #tpu.memory_space<vmem>>, %arg13: memref<4096xf32, #tpu.memory_space<vmem>>, %arg14: memref<4096xf32, #tpu.memory_space<vmem>>, %arg15: memref<!tpu.dma_semaphore, #tpu.memory_space<semaphore_mem>>, %arg16: memref<!tpu.dma_semaphore, #tpu.memory_space<semaphore_mem>>, %arg17: memref<!tpu.dma_semaphore, #tpu.memory_space<semaphore_mem>>, %arg18: memref<!tpu.dma_semaphore, #tpu.memory_space<semaphore_mem>>, %arg19: memref<!tpu.dma_semaphore, #tpu.memory_space<semaphore_mem>>, %arg20: memref<!tpu.dma_semaphore, #tpu.memory_space<semaphore_mem>>) attributes {dimension_semantics = [#tpu.dimension_semantics<core_parallel>, #tpu.dimension_semantics<subcore_parallel>], iteration_bounds = array<i64: 2, 16>, scalar_prefetch = 0 : i64, scratch_operands = 15 : i64, tpu.core_type = #tpu.core_type<sc_vector_subcore>, window_params = [{transform_indices = #map}, {transform_indices = #map}, {transform_indices = #map}, {transform_indices = #map}]} {
    %mul3A = arith.constant 2 : i32
    %mul3A_0 = arith.muli %arg1, %mul3A : i32
    %add3A = arith.addi %mul3A_0, %arg0 : i32
    %mul3A_1 = arith.constant 131072 : i32
    %mul3A_2 = arith.muli %add3A, %mul3A_1 : i32
    %add3A_3 = arith.constant 0 : i32
    %add3A_4 = arith.addi %mul3A_2, %add3A_3 : i32
    %multiple_of3A = tpu.assume_multiple %add3A_4, 4096 : i32
    %dma_start3A = tpu.memref_slice %arg2[%multiple_of3A] : memref<4194304xi32, #tpu.memory_space<hbm>> -> memref<4096xi32, #tpu.memory_space<hbm>>
    %dma_start3A_5 = tpu.memref_slice %arg2[%multiple_of3A] : memref<4194304xi32, #tpu.memory_space<hbm>> -> memref<4096xi32, #tpu.memory_space<hbm>>
    tpu.enqueue_dma source(%dma_start3A_5 : memref<4096xi32, #tpu.memory_space<hbm>>) target(%arg7 : memref<4096xi32, #tpu.memory_space<vmem>>) target_semaphore(%arg15 : memref<!tpu.dma_semaphore, #tpu.memory_space<semaphore_mem>>)
    %add3A_6 = arith.constant 0 : i32
    %add3A_7 = arith.addi %mul3A_2, %add3A_6 : i32
    %multiple_of3A_8 = tpu.assume_multiple %add3A_7, 4096 : i32
    %dma_start3A_9 = tpu.memref_slice %arg3[%multiple_of3A_8] : memref<4194304xi32, #tpu.memory_space<hbm>> -> memref<4096xi32, #tpu.memory_space<hbm>>
    %dma_start3A_10 = tpu.memref_slice %arg3[%multiple_of3A_8] : memref<4194304xi32, #tpu.memory_space<hbm>> -> memref<4096xi32, #tpu.memory_space<hbm>>
    tpu.enqueue_dma source(%dma_start3A_10 : memref<4096xi32, #tpu.memory_space<hbm>>) target(%arg9 : memref<4096xi32, #tpu.memory_space<vmem>>) target_semaphore(%arg15 : memref<!tpu.dma_semaphore, #tpu.memory_space<semaphore_mem>>)
    %mul3A_11 = arith.constant 65536 : i32
    %mul3A_12 = arith.muli %arg1, %mul3A_11 : i32
    %mul3A_13 = arith.constant 65536 : i32
    %mul3A_14 = arith.muli %arg1, %mul3A_13 : i32
    "tpu.region"() ({
      %run_scoped3A = tpu.sem_alloc : memref<!tpu.dma_semaphore, #tpu.memory_space<semaphore_mem>>
      %dma_start3A_36 = tpu.memref_slice %arg6[%mul3A_14] : memref<1048576xf32, #tpu.memory_space<vmem_shared>> -> memref<65536xf32, #tpu.memory_space<vmem_shared>>
      %dma_start3A_37 = tpu.memref_slice %arg4[%mul3A_12] : memref<1048576xf32, #tpu.memory_space<hbm>> -> memref<65536xf32, #tpu.memory_space<hbm>>
      tpu.enqueue_dma source(%dma_start3A_37 : memref<65536xf32, #tpu.memory_space<hbm>>) target(%dma_start3A_36 : memref<65536xf32, #tpu.memory_space<vmem_shared>>) target_semaphore(%run_scoped3A : memref<!tpu.dma_semaphore, #tpu.memory_space<semaphore_mem>>)
      %dma_wait3A_38 = tpu.memref_slice %arg6[%mul3A_14] : memref<1048576xf32, #tpu.memory_space<vmem_shared>> -> memref<65536xf32, #tpu.memory_space<vmem_shared>>
      %dma_wait3A_39 = tpu.memref_slice %arg4[%mul3A_12] : memref<1048576xf32, #tpu.memory_space<hbm>> -> memref<65536xf32, #tpu.memory_space<hbm>>
      tpu.wait_dma2 semaphore(%run_scoped3A : memref<!tpu.dma_semaphore, #tpu.memory_space<semaphore_mem>>) src(%dma_wait3A_39 : memref<65536xf32, #tpu.memory_space<hbm>>) dst(%dma_wait3A_38 : memref<65536xf32, #tpu.memory_space<vmem_shared>>)
      tpu.yield
    }) : () -> ()
    %barrier3A = arith.constant 0 : index
    tpu.barrier barrier_id(%barrier3A)
    %scan3A = arith.constant 0 : i32
    %scan3A_15 = arith.constant 0 : i32
    %scan3A_16 = arith.constant 16 : i32
    %scan3A_17 = arith.addi %scan3A_15, %scan3A_16 : i32
    %scan3A_18 = arith.constant 1 : i32
    scf.for %scan3A_36 = %scan3A_15 to %scan3A_17 step %scan3A_18  : i32 {
      %mul3A_37 = arith.constant 2 : i32
      %mul3A_38 = arith.muli %mul3A_37, %scan3A_36 : i32
      %add3A_39 = arith.constant 1 : i32
      %add3A_40 = arith.addi %mul3A_38, %add3A_39 : i32
      %lt3A = arith.constant 32 : i32
      %lt3A_41 = arith.cmpi slt, %add3A_40, %lt3A : i32
      %convert_element_type3A = arith.extui %lt3A_41 : i1 to i32
      %cond3A = arith.constant 0 : i32
      %cond3A_42 = arith.cmpi ne, %convert_element_type3A, %cond3A : i32
      scf.if %cond3A_42 {
        %add3A_113 = arith.constant 1 : i32
        %add3A_114 = arith.addi %mul3A_38, %add3A_113 : i32
        %mul3A_115 = arith.constant 4096 : i32
        %mul3A_116 = arith.muli %add3A_114, %mul3A_115 : i32
        %add3A_117 = arith.addi %mul3A_2, %mul3A_116 : i32
        %multiple_of3A_118 = tpu.assume_multiple %add3A_117, 4096 : i32
        %dma_start3A_119 = tpu.memref_slice %arg2[%multiple_of3A_118] : memref<4194304xi32, #tpu.memory_space<hbm>> -> memref<4096xi32, #tpu.memory_space<hbm>>
        %dma_start3A_120 = tpu.memref_slice %arg2[%multiple_of3A_118] : memref<4194304xi32, #tpu.memory_space<hbm>> -> memref<4096xi32, #tpu.memory_space<hbm>>
        tpu.enqueue_dma source(%dma_start3A_120 : memref<4096xi32, #tpu.memory_space<hbm>>) target(%arg8 : memref<4096xi32, #tpu.memory_space<vmem>>) target_semaphore(%arg16 : memref<!tpu.dma_semaphore, #tpu.memory_space<semaphore_mem>>)
        %mul3A_121 = arith.constant 4096 : i32
        %mul3A_122 = arith.muli %add3A_114, %mul3A_121 : i32
        %add3A_123 = arith.addi %mul3A_2, %mul3A_122 : i32
        %multiple_of3A_124 = tpu.assume_multiple %add3A_123, 4096 : i32
        %dma_start3A_125 = tpu.memref_slice %arg3[%multiple_of3A_124] : memref<4194304xi32, #tpu.memory_space<hbm>> -> memref<4096xi32, #tpu.memory_space<hbm>>
        %dma_start3A_126 = tpu.memref_slice %arg3[%multiple_of3A_124] : memref<4194304xi32, #tpu.memory_space<hbm>> -> memref<4096xi32, #tpu.memory_space<hbm>>
        tpu.enqueue_dma source(%dma_start3A_126 : memref<4096xi32, #tpu.memory_space<hbm>>) target(%arg10 : memref<4096xi32, #tpu.memory_space<vmem>>) target_semaphore(%arg16 : memref<!tpu.dma_semaphore, #tpu.memory_space<semaphore_mem>>)
      } else {
      }
      %mul3A_43 = arith.constant 4096 : i32
      %mul3A_44 = arith.muli %mul3A_38, %mul3A_43 : i32
      %add3A_45 = arith.addi %mul3A_2, %mul3A_44 : i32
      %multiple_of3A_46 = tpu.assume_multiple %add3A_45, 4096 : i32
      %dma_wait3A_47 = tpu.memref_slice %arg2[%multiple_of3A_46] : memref<4194304xi32, #tpu.memory_space<hbm>> -> memref<4096xi32, #tpu.memory_space<hbm>>
      %dma_wait3A_48 = tpu.memref_slice %arg2[%multiple_of3A_46] : memref<4194304xi32, #tpu.memory_space<hbm>> -> memref<4096xi32, #tpu.memory_space<hbm>>
      tpu.wait_dma2 semaphore(%arg15 : memref<!tpu.dma_semaphore, #tpu.memory_space<semaphore_mem>>) src(%dma_wait3A_48 : memref<4096xi32, #tpu.memory_space<hbm>>) dst(%arg7 : memref<4096xi32, #tpu.memory_space<vmem>>)
      %mul3A_49 = arith.constant 4096 : i32
      %mul3A_50 = arith.muli %mul3A_38, %mul3A_49 : i32
      %add3A_51 = arith.addi %mul3A_2, %mul3A_50 : i32
      %multiple_of3A_52 = tpu.assume_multiple %add3A_51, 4096 : i32
      %dma_wait3A_53 = tpu.memref_slice %arg3[%multiple_of3A_52] : memref<4194304xi32, #tpu.memory_space<hbm>> -> memref<4096xi32, #tpu.memory_space<hbm>>
      %dma_wait3A_54 = tpu.memref_slice %arg3[%multiple_of3A_52] : memref<4194304xi32, #tpu.memory_space<hbm>> -> memref<4096xi32, #tpu.memory_space<hbm>>
      tpu.wait_dma2 semaphore(%arg15 : memref<!tpu.dma_semaphore, #tpu.memory_space<semaphore_mem>>) src(%dma_wait3A_54 : memref<4096xi32, #tpu.memory_space<hbm>>) dst(%arg9 : memref<4096xi32, #tpu.memory_space<vmem>>)
      %scan3A_55 = arith.constant 0 : i32
      %scan3A_56 = arith.constant 0 : i32
      %scan3A_57 = arith.constant 256 : i32
      %scan3A_58 = arith.addi %scan3A_56, %scan3A_57 : i32
      %scan3A_59 = arith.constant 8 : i32
      scf.for %scan3A_113 = %scan3A_56 to %scan3A_58 step %scan3A_59  : i32 {
        %mul3A_114 = arith.constant 16 : i32
        %mul3A_115 = arith.muli %scan3A_113, %mul3A_114 : i32
        %multiple_of3A_116 = tpu.assume_multiple %mul3A_115, 16 : i32
        %get3A = arith.index_cast %multiple_of3A_116 : i32 to index
        %get3A_117 = tpu.vector_load %arg7[%get3A] {strides = array<i32>} : memref<4096xi32, #tpu.memory_space<vmem>>, vector<16xi32>,
        %get3A_118 = vector.shape_cast %get3A_117 : vector<16xi32> to vector<16xi32>
        %shift_left3A = arith.constant 10 : i32
        %shift_left3A_119 = vector.broadcast %shift_left3A : i32 to vector<16xi32>
        %shift_left3A_120 = arith.shli %get3A_118, %shift_left3A_119 : vector<16xi32>
        %get3A_121 = arith.index_cast %multiple_of3A_116 : i32 to index
        %get3A_122 = tpu.vector_load %arg9[%get3A_121] {strides = array<i32>} : memref<4096xi32, #tpu.memory_space<vmem>>, vector<16xi32>,
        %get3A_123 = vector.shape_cast %get3A_122 : vector<16xi32> to vector<16xi32>
        %or3A = arith.ori %shift_left3A_120, %get3A_123 : vector<16xi32>
        %swap3A = arith.index_cast %multiple_of3A_116 : i32 to index
        %swap3A_124 = tpu.vector_load %arg11[%swap3A] {strides = array<i32>} : memref<4096xi32, #tpu.memory_space<vmem>>, vector<16xi32>,
        %swap3A_125 = vector.shape_cast %swap3A_124 : vector<16xi32> to vector<16xi32>
        %swap3A_126 = vector.shape_cast %or3A : vector<16xi32> to vector<16xi32>
        tpu.vector_store %arg11[%swap3A], %swap3A_126 {strides = array<i32>} : memref<4096xi32, #tpu.memory_space<vmem>>, vector<16xi32>,
        %scan3A_127 = arith.constant 1 : i32
        %scan3A_128 = arith.addi %scan3A_113, %scan3A_127 : i32
        %mul3A_129 = arith.constant 16 : i32
        %mul3A_130 = arith.muli %scan3A_128, %mul3A_129 : i32
        %multiple_of3A_131 = tpu.assume_multiple %mul3A_130, 16 : i32
        %get3A_132 = arith.index_cast %multiple_of3A_131 : i32 to index
        %get3A_133 = tpu.vector_load %arg7[%get3A_132] {strides = array<i32>} : memref<4096xi32, #tpu.memory_space<vmem>>, vector<16xi32>,
        %get3A_134 = vector.shape_cast %get3A_133 : vector<16xi32> to vector<16xi32>
        %shift_left3A_135 = arith.constant 10 : i32
        %shift_left3A_136 = vector.broadcast %shift_left3A_135 : i32 to vector<16xi32>
        %shift_left3A_137 = arith.shli %get3A_134, %shift_left3A_136 : vector<16xi32>
        %get3A_138 = arith.index_cast %multiple_of3A_131 : i32 to index
        %get3A_139 = tpu.vector_load %arg9[%get3A_138] {strides = array<i32>} : memref<4096xi32, #tpu.memory_space<vmem>>, vector<16xi32>,
        %get3A_140 = vector.shape_cast %get3A_139 : vector<16xi32> to vector<16xi32>
        %or3A_141 = arith.ori %shift_left3A_137, %get3A_140 : vector<16xi32>
        %swap3A_142 = arith.index_cast %multiple_of3A_131 : i32 to index
        %swap3A_143 = tpu.vector_load %arg11[%swap3A_142] {strides = array<i32>} : memref<4096xi32, #tpu.memory_space<vmem>>, vector<16xi32>,
        %swap3A_144 = vector.shape_cast %swap3A_143 : vector<16xi32> to vector<16xi32>
        %swap3A_145 = vector.shape_cast %or3A_141 : vector<16xi32> to vector<16xi32>
        tpu.vector_store %arg11[%swap3A_142], %swap3A_145 {strides = array<i32>} : memref<4096xi32, #tpu.memory_space<vmem>>, vector<16xi32>,
        %scan3A_146 = arith.constant 2 : i32
        %scan3A_147 = arith.addi %scan3A_113, %scan3A_146 : i32
        %mul3A_148 = arith.constant 16 : i32
        %mul3A_149 = arith.muli %scan3A_147, %mul3A_148 : i32
        %multiple_of3A_150 = tpu.assume_multiple %mul3A_149, 16 : i32
        %get3A_151 = arith.index_cast %multiple_of3A_150 : i32 to index
        %get3A_152 = tpu.vector_load %arg7[%get3A_151] {strides = array<i32>} : memref<4096xi32, #tpu.memory_space<vmem>>, vector<16xi32>,
        %get3A_153 = vector.shape_cast %get3A_152 : vector<16xi32> to vector<16xi32>
        %shift_left3A_154 = arith.constant 10 : i32
        %shift_left3A_155 = vector.broadcast %shift_left3A_154 : i32 to vector<16xi32>
        %shift_left3A_156 = arith.shli %get3A_153, %shift_left3A_155 : vector<16xi32>
        %get3A_157 = arith.index_cast %multiple_of3A_150 : i32 to index
        %get3A_158 = tpu.vector_load %arg9[%get3A_157] {strides = array<i32>} : memref<4096xi32, #tpu.memory_space<vmem>>, vector<16xi32>,
        %get3A_159 = vector.shape_cast %get3A_158 : vector<16xi32> to vector<16xi32>
        %or3A_160 = arith.ori %shift_left3A_156, %get3A_159 : vector<16xi32>
        %swap3A_161 = arith.index_cast %multiple_of3A_150 : i32 to index
        %swap3A_162 = tpu.vector_load %arg11[%swap3A_161] {strides = array<i32>} : memref<4096xi32, #tpu.memory_space<vmem>>, vector<16xi32>,
        %swap3A_163 = vector.shape_cast %swap3A_162 : vector<16xi32> to vector<16xi32>
        %swap3A_164 = vector.shape_cast %or3A_160 : vector<16xi32> to vector<16xi32>
        tpu.vector_store %arg11[%swap3A_161], %swap3A_164 {strides = array<i32>} : memref<4096xi32, #tpu.memory_space<vmem>>, vector<16xi32>,
        %scan3A_165 = arith.constant 3 : i32
        %scan3A_166 = arith.addi %scan3A_113, %scan3A_165 : i32
        %mul3A_167 = arith.constant 16 : i32
        %mul3A_168 = arith.muli %scan3A_166, %mul3A_167 : i32
        %multiple_of3A_169 = tpu.assume_multiple %mul3A_168, 16 : i32
        %get3A_170 = arith.index_cast %multiple_of3A_169 : i32 to index
        %get3A_171 = tpu.vector_load %arg7[%get3A_170] {strides = array<i32>} : memref<4096xi32, #tpu.memory_space<vmem>>, vector<16xi32>,
        %get3A_172 = vector.shape_cast %get3A_171 : vector<16xi32> to vector<16xi32>
        %shift_left3A_173 = arith.constant 10 : i32
        %shift_left3A_174 = vector.broadcast %shift_left3A_173 : i32 to vector<16xi32>
        %shift_left3A_175 = arith.shli %get3A_172, %shift_left3A_174 : vector<16xi32>
        %get3A_176 = arith.index_cast %multiple_of3A_169 : i32 to index
        %get3A_177 = tpu.vector_load %arg9[%get3A_176] {strides = array<i32>} : memref<4096xi32, #tpu.memory_space<vmem>>, vector<16xi32>,
        %get3A_178 = vector.shape_cast %get3A_177 : vector<16xi32> to vector<16xi32>
        %or3A_179 = arith.ori %shift_left3A_175, %get3A_178 : vector<16xi32>
        %swap3A_180 = arith.index_cast %multiple_of3A_169 : i32 to index
        %swap3A_181 = tpu.vector_load %arg11[%swap3A_180] {strides = array<i32>} : memref<4096xi32, #tpu.memory_space<vmem>>, vector<16xi32>,
        %swap3A_182 = vector.shape_cast %swap3A_181 : vector<16xi32> to vector<16xi32>
        %swap3A_183 = vector.shape_cast %or3A_179 : vector<16xi32> to vector<16xi32>
        tpu.vector_store %arg11[%swap3A_180], %swap3A_183 {strides = array<i32>} : memref<4096xi32, #tpu.memory_space<vmem>>, vector<16xi32>,
        %scan3A_184 = arith.constant 4 : i32
        %scan3A_185 = arith.addi %scan3A_113, %scan3A_184 : i32
        %mul3A_186 = arith.constant 16 : i32
        %mul3A_187 = arith.muli %scan3A_185, %mul3A_186 : i32
        %multiple_of3A_188 = tpu.assume_multiple %mul3A_187, 16 : i32
        %get3A_189 = arith.index_cast %multiple_of3A_188 : i32 to index
        %get3A_190 = tpu.vector_load %arg7[%get3A_189] {strides = array<i32>} : memref<4096xi32, #tpu.memory_space<vmem>>, vector<16xi32>,
        %get3A_191 = vector.shape_cast %get3A_190 : vector<16xi32> to vector<16xi32>
        %shift_left3A_192 = arith.constant 10 : i32
        %shift_left3A_193 = vector.broadcast %shift_left3A_192 : i32 to vector<16xi32>
        %shift_left3A_194 = arith.shli %get3A_191, %shift_left3A_193 : vector<16xi32>
        %get3A_195 = arith.index_cast %multiple_of3A_188 : i32 to index
        %get3A_196 = tpu.vector_load %arg9[%get3A_195] {strides = array<i32>} : memref<4096xi32, #tpu.memory_space<vmem>>, vector<16xi32>,
        %get3A_197 = vector.shape_cast %get3A_196 : vector<16xi32> to vector<16xi32>
        %or3A_198 = arith.ori %shift_left3A_194, %get3A_197 : vector<16xi32>
        %swap3A_199 = arith.index_cast %multiple_of3A_188 : i32 to index
        %swap3A_200 = tpu.vector_load %arg11[%swap3A_199] {strides = array<i32>} : memref<4096xi32, #tpu.memory_space<vmem>>, vector<16xi32>,
        %swap3A_201 = vector.shape_cast %swap3A_200 : vector<16xi32> to vector<16xi32>
        %swap3A_202 = vector.shape_cast %or3A_198 : vector<16xi32> to vector<16xi32>
        tpu.vector_store %arg11[%swap3A_199], %swap3A_202 {strides = array<i32>} : memref<4096xi32, #tpu.memory_space<vmem>>, vector<16xi32>,
        %scan3A_203 = arith.constant 5 : i32
        %scan3A_204 = arith.addi %scan3A_113, %scan3A_203 : i32
        %mul3A_205 = arith.constant 16 : i32
        %mul3A_206 = arith.muli %scan3A_204, %mul3A_205 : i32
        %multiple_of3A_207 = tpu.assume_multiple %mul3A_206, 16 : i32
        %get3A_208 = arith.index_cast %multiple_of3A_207 : i32 to index
        %get3A_209 = tpu.vector_load %arg7[%get3A_208] {strides = array<i32>} : memref<4096xi32, #tpu.memory_space<vmem>>, vector<16xi32>,
        %get3A_210 = vector.shape_cast %get3A_209 : vector<16xi32> to vector<16xi32>
        %shift_left3A_211 = arith.constant 10 : i32
        %shift_left3A_212 = vector.broadcast %shift_left3A_211 : i32 to vector<16xi32>
        %shift_left3A_213 = arith.shli %get3A_210, %shift_left3A_212 : vector<16xi32>
        %get3A_214 = arith.index_cast %multiple_of3A_207 : i32 to index
        %get3A_215 = tpu.vector_load %arg9[%get3A_214] {strides = array<i32>} : memref<4096xi32, #tpu.memory_space<vmem>>, vector<16xi32>,
        %get3A_216 = vector.shape_cast %get3A_215 : vector<16xi32> to vector<16xi32>
        %or3A_217 = arith.ori %shift_left3A_213, %get3A_216 : vector<16xi32>
        %swap3A_218 = arith.index_cast %multiple_of3A_207 : i32 to index
        %swap3A_219 = tpu.vector_load %arg11[%swap3A_218] {strides = array<i32>} : memref<4096xi32, #tpu.memory_space<vmem>>, vector<16xi32>,
        %swap3A_220 = vector.shape_cast %swap3A_219 : vector<16xi32> to vector<16xi32>
        %swap3A_221 = vector.shape_cast %or3A_217 : vector<16xi32> to vector<16xi32>
        tpu.vector_store %arg11[%swap3A_218], %swap3A_221 {strides = array<i32>} : memref<4096xi32, #tpu.memory_space<vmem>>, vector<16xi32>,
        %scan3A_222 = arith.constant 6 : i32
        %scan3A_223 = arith.addi %scan3A_113, %scan3A_222 : i32
        %mul3A_224 = arith.constant 16 : i32
        %mul3A_225 = arith.muli %scan3A_223, %mul3A_224 : i32
        %multiple_of3A_226 = tpu.assume_multiple %mul3A_225, 16 : i32
        %get3A_227 = arith.index_cast %multiple_of3A_226 : i32 to index
        %get3A_228 = tpu.vector_load %arg7[%get3A_227] {strides = array<i32>} : memref<4096xi32, #tpu.memory_space<vmem>>, vector<16xi32>,
        %get3A_229 = vector.shape_cast %get3A_228 : vector<16xi32> to vector<16xi32>
        %shift_left3A_230 = arith.constant 10 : i32
        %shift_left3A_231 = vector.broadcast %shift_left3A_230 : i32 to vector<16xi32>
        %shift_left3A_232 = arith.shli %get3A_229, %shift_left3A_231 : vector<16xi32>
        %get3A_233 = arith.index_cast %multiple_of3A_226 : i32 to index
        %get3A_234 = tpu.vector_load %arg9[%get3A_233] {strides = array<i32>} : memref<4096xi32, #tpu.memory_space<vmem>>, vector<16xi32>,
        %get3A_235 = vector.shape_cast %get3A_234 : vector<16xi32> to vector<16xi32>
        %or3A_236 = arith.ori %shift_left3A_232, %get3A_235 : vector<16xi32>
        %swap3A_237 = arith.index_cast %multiple_of3A_226 : i32 to index
        %swap3A_238 = tpu.vector_load %arg11[%swap3A_237] {strides = array<i32>} : memref<4096xi32, #tpu.memory_space<vmem>>, vector<16xi32>,
        %swap3A_239 = vector.shape_cast %swap3A_238 : vector<16xi32> to vector<16xi32>
        %swap3A_240 = vector.shape_cast %or3A_236 : vector<16xi32> to vector<16xi32>
        tpu.vector_store %arg11[%swap3A_237], %swap3A_240 {strides = array<i32>} : memref<4096xi32, #tpu.memory_space<vmem>>, vector<16xi32>,
        %scan3A_241 = arith.constant 7 : i32
        %scan3A_242 = arith.addi %scan3A_113, %scan3A_241 : i32
        %mul3A_243 = arith.constant 16 : i32
        %mul3A_244 = arith.muli %scan3A_242, %mul3A_243 : i32
        %multiple_of3A_245 = tpu.assume_multiple %mul3A_244, 16 : i32
        %get3A_246 = arith.index_cast %multiple_of3A_245 : i32 to index
        %get3A_247 = tpu.vector_load %arg7[%get3A_246] {strides = array<i32>} : memref<4096xi32, #tpu.memory_space<vmem>>, vector<16xi32>,
        %get3A_248 = vector.shape_cast %get3A_247 : vector<16xi32> to vector<16xi32>
        %shift_left3A_249 = arith.constant 10 : i32
        %shift_left3A_250 = vector.broadcast %shift_left3A_249 : i32 to vector<16xi32>
        %shift_left3A_251 = arith.shli %get3A_248, %shift_left3A_250 : vector<16xi32>
        %get3A_252 = arith.index_cast %multiple_of3A_245 : i32 to index
        %get3A_253 = tpu.vector_load %arg9[%get3A_252] {strides = array<i32>} : memref<4096xi32, #tpu.memory_space<vmem>>, vector<16xi32>,
        %get3A_254 = vector.shape_cast %get3A_253 : vector<16xi32> to vector<16xi32>
        %or3A_255 = arith.ori %shift_left3A_251, %get3A_254 : vector<16xi32>
        %swap3A_256 = arith.index_cast %multiple_of3A_245 : i32 to index
        %swap3A_257 = tpu.vector_load %arg11[%swap3A_256] {strides = array<i32>} : memref<4096xi32, #tpu.memory_space<vmem>>, vector<16xi32>,
        %swap3A_258 = vector.shape_cast %swap3A_257 : vector<16xi32> to vector<16xi32>
        %swap3A_259 = vector.shape_cast %or3A_255 : vector<16xi32> to vector<16xi32>
        tpu.vector_store %arg11[%swap3A_256], %swap3A_259 {strides = array<i32>} : memref<4096xi32, #tpu.memory_space<vmem>>, vector<16xi32>,
      }
      %scan3A_60 = arith.constant 256 : i32
      %ge3A = arith.constant 2 : i32
      %ge3A_61 = arith.cmpi sge, %mul3A_38, %ge3A : i32
      %convert_element_type3A_62 = arith.extui %ge3A_61 : i1 to i32
      %cond3A_63 = arith.constant 0 : i32
      %cond3A_64 = arith.cmpi ne, %convert_element_type3A_62, %cond3A_63 : i32
      scf.if %cond3A_64 {
        %sub3A = arith.constant 2 : i32
        %sub3A_113 = arith.subi %mul3A_38, %sub3A : i32
        %mul3A_114 = arith.constant 4096 : i32
        %mul3A_115 = arith.muli %sub3A_113, %mul3A_114 : i32
        %add3A_116 = arith.addi %mul3A_2, %mul3A_115 : i32
        %multiple_of3A_117 = tpu.assume_multiple %add3A_116, 4096 : i32
        %dma_wait3A_118 = tpu.memref_slice %arg5[%multiple_of3A_117] : memref<4194304xf32, #tpu.memory_space<hbm>> -> memref<4096xf32, #tpu.memory_space<hbm>>
        %dma_wait3A_119 = tpu.memref_slice %arg5[%multiple_of3A_117] : memref<4194304xf32, #tpu.memory_space<hbm>> -> memref<4096xf32, #tpu.memory_space<hbm>>
        tpu.wait_dma2 semaphore(%arg19 : memref<!tpu.dma_semaphore, #tpu.memory_space<semaphore_mem>>) src(%arg13 : memref<4096xf32, #tpu.memory_space<vmem>>) dst(%dma_wait3A_119 : memref<4096xf32, #tpu.memory_space<hbm>>)
      } else {
      }
      %dma_start3A_65 = arith.constant 0 : i32
      %dma_start3A_66 = tpu.memref_slice %arg6[%dma_start3A_65] : memref<1048576xf32, #tpu.memory_space<vmem_shared>> -> memref<1048576xf32, #tpu.memory_space<vmem_shared>>
      tpu.enqueue_indirect_dma source(%dma_start3A_66 : memref<1048576xf32, #tpu.memory_space<vmem_shared>>) target(%arg13 : memref<4096xf32, #tpu.memory_space<vmem>>) offsets(%arg11 : memref<4096xi32, #tpu.memory_space<vmem>>) semaphore(%arg17 : memref<!tpu.dma_semaphore, #tpu.memory_space<semaphore_mem>>)
      %ge3A_67 = arith.constant 1 : i32
      %ge3A_68 = arith.cmpi sge, %mul3A_38, %ge3A_67 : i32
      %convert_element_type3A_69 = arith.extui %ge3A_68 : i1 to i32
      %cond3A_70 = arith.constant 0 : i32
      %cond3A_71 = arith.cmpi ne, %convert_element_type3A_69, %cond3A_70 : i32
      scf.if %cond3A_71 {
        %dma_wait3A_113 = arith.constant 0 : i32
        %dma_wait3A_114 = tpu.memref_slice %arg6[%dma_wait3A_113] : memref<1048576xf32, #tpu.memory_space<vmem_shared>> -> memref<1048576xf32, #tpu.memory_space<vmem_shared>>
        tpu.wait_indirect_dma semaphore(%arg18 : memref<!tpu.dma_semaphore, #tpu.memory_space<semaphore_mem>>) src(%dma_wait3A_114 : memref<1048576xf32, #tpu.memory_space<vmem_shared>>) dst(%arg14 : memref<4096xf32, #tpu.memory_space<vmem>>)
        %sub3A = arith.constant 1 : i32
        %sub3A_115 = arith.subi %mul3A_38, %sub3A : i32
        %mul3A_116 = arith.constant 4096 : i32
        %mul3A_117 = arith.muli %sub3A_115, %mul3A_116 : i32
        %add3A_118 = arith.addi %mul3A_2, %mul3A_117 : i32
        %multiple_of3A_119 = tpu.assume_multiple %add3A_118, 4096 : i32
        %dma_start3A_120 = tpu.memref_slice %arg5[%multiple_of3A_119] : memref<4194304xf32, #tpu.memory_space<hbm>> -> memref<4096xf32, #tpu.memory_space<hbm>>
        %dma_start3A_121 = tpu.memref_slice %arg5[%multiple_of3A_119] : memref<4194304xf32, #tpu.memory_space<hbm>> -> memref<4096xf32, #tpu.memory_space<hbm>>
        tpu.enqueue_dma source(%arg14 : memref<4096xf32, #tpu.memory_space<vmem>>) target(%dma_start3A_121 : memref<4096xf32, #tpu.memory_space<hbm>>) target_semaphore(%arg20 : memref<!tpu.dma_semaphore, #tpu.memory_space<semaphore_mem>>)
      } else {
      }
      %mul3A_72 = arith.constant 2 : i32
      %mul3A_73 = arith.muli %mul3A_72, %scan3A_36 : i32
      %add3A_74 = arith.constant 1 : i32
      %add3A_75 = arith.addi %mul3A_73, %add3A_74 : i32
      %add3A_76 = arith.constant 1 : i32
      %add3A_77 = arith.addi %add3A_75, %add3A_76 : i32
      %lt3A_78 = arith.constant 32 : i32
      %lt3A_79 = arith.cmpi slt, %add3A_77, %lt3A_78 : i32
      %convert_element_type3A_80 = arith.extui %lt3A_79 : i1 to i32
      %cond3A_81 = arith.constant 0 : i32
      %cond3A_82 = arith.cmpi ne, %convert_element_type3A_80, %cond3A_81 : i32
      scf.if %cond3A_82 {
        %add3A_113 = arith.constant 1 : i32
        %add3A_114 = arith.addi %add3A_75, %add3A_113 : i32
        %mul3A_115 = arith.constant 4096 : i32
        %mul3A_116 = arith.muli %add3A_114, %mul3A_115 : i32
        %add3A_117 = arith.addi %mul3A_2, %mul3A_116 : i32
        %multiple_of3A_118 = tpu.assume_multiple %add3A_117, 4096 : i32
        %dma_start3A_119 = tpu.memref_slice %arg2[%multiple_of3A_118] : memref<4194304xi32, #tpu.memory_space<hbm>> -> memref<4096xi32, #tpu.memory_space<hbm>>
        %dma_start3A_120 = tpu.memref_slice %arg2[%multiple_of3A_118] : memref<4194304xi32, #tpu.memory_space<hbm>> -> memref<4096xi32, #tpu.memory_space<hbm>>
        tpu.enqueue_dma source(%dma_start3A_120 : memref<4096xi32, #tpu.memory_space<hbm>>) target(%arg7 : memref<4096xi32, #tpu.memory_space<vmem>>) target_semaphore(%arg15 : memref<!tpu.dma_semaphore, #tpu.memory_space<semaphore_mem>>)
        %mul3A_121 = arith.constant 4096 : i32
        %mul3A_122 = arith.muli %add3A_114, %mul3A_121 : i32
        %add3A_123 = arith.addi %mul3A_2, %mul3A_122 : i32
        %multiple_of3A_124 = tpu.assume_multiple %add3A_123, 4096 : i32
        %dma_start3A_125 = tpu.memref_slice %arg3[%multiple_of3A_124] : memref<4194304xi32, #tpu.memory_space<hbm>> -> memref<4096xi32, #tpu.memory_space<hbm>>
        %dma_start3A_126 = tpu.memref_slice %arg3[%multiple_of3A_124] : memref<4194304xi32, #tpu.memory_space<hbm>> -> memref<4096xi32, #tpu.memory_space<hbm>>
        tpu.enqueue_dma source(%dma_start3A_126 : memref<4096xi32, #tpu.memory_space<hbm>>) target(%arg9 : memref<4096xi32, #tpu.memory_space<vmem>>) target_semaphore(%arg15 : memref<!tpu.dma_semaphore, #tpu.memory_space<semaphore_mem>>)
      } else {
      }
      %mul3A_83 = arith.constant 4096 : i32
      %mul3A_84 = arith.muli %add3A_75, %mul3A_83 : i32
      %add3A_85 = arith.addi %mul3A_2, %mul3A_84 : i32
      %multiple_of3A_86 = tpu.assume_multiple %add3A_85, 4096 : i32
      %dma_wait3A_87 = tpu.memref_slice %arg2[%multiple_of3A_86] : memref<4194304xi32, #tpu.memory_space<hbm>> -> memref<4096xi32, #tpu.memory_space<hbm>>
      %dma_wait3A_88 = tpu.memref_slice %arg2[%multiple_of3A_86] : memref<4194304xi32, #tpu.memory_space<hbm>> -> memref<4096xi32, #tpu.memory_space<hbm>>
      tpu.wait_dma2 semaphore(%arg16 : memref<!tpu.dma_semaphore, #tpu.memory_space<semaphore_mem>>) src(%dma_wait3A_88 : memref<4096xi32, #tpu.memory_space<hbm>>) dst(%arg8 : memref<4096xi32, #tpu.memory_space<vmem>>)
      %mul3A_89 = arith.constant 4096 : i32
      %mul3A_90 = arith.muli %add3A_75, %mul3A_89 : i32
      %add3A_91 = arith.addi %mul3A_2, %mul3A_90 : i32
      %multiple_of3A_92 = tpu.assume_multiple %add3A_91, 4096 : i32
      %dma_wait3A_93 = tpu.memref_slice %arg3[%multiple_of3A_92] : memref<4194304xi32, #tpu.memory_space<hbm>> -> memref<4096xi32, #tpu.memory_space<hbm>>
      %dma_wait3A_94 = tpu.memref_slice %arg3[%multiple_of3A_92] : memref<4194304xi32, #tpu.memory_space<hbm>> -> memref<4096xi32, #tpu.memory_space<hbm>>
      tpu.wait_dma2 semaphore(%arg16 : memref<!tpu.dma_semaphore, #tpu.memory_space<semaphore_mem>>) src(%dma_wait3A_94 : memref<4096xi32, #tpu.memory_space<hbm>>) dst(%arg10 : memref<4096xi32, #tpu.memory_space<vmem>>)
      %scan3A_95 = arith.constant 0 : i32
      %scan3A_96 = arith.constant 0 : i32
      %scan3A_97 = arith.constant 256 : i32
      %scan3A_98 = arith.addi %scan3A_96, %scan3A_97 : i32
      %scan3A_99 = arith.constant 8 : i32
      scf.for %scan3A_113 = %scan3A_96 to %scan3A_98 step %scan3A_99  : i32 {
        %mul3A_114 = arith.constant 16 : i32
        %mul3A_115 = arith.muli %scan3A_113, %mul3A_114 : i32
        %multiple_of3A_116 = tpu.assume_multiple %mul3A_115, 16 : i32
        %get3A = arith.index_cast %multiple_of3A_116 : i32 to index
        %get3A_117 = tpu.vector_load %arg8[%get3A] {strides = array<i32>} : memref<4096xi32, #tpu.memory_space<vmem>>, vector<16xi32>,
        %get3A_118 = vector.shape_cast %get3A_117 : vector<16xi32> to vector<16xi32>
        %shift_left3A = arith.constant 10 : i32
        %shift_left3A_119 = vector.broadcast %shift_left3A : i32 to vector<16xi32>
        %shift_left3A_120 = arith.shli %get3A_118, %shift_left3A_119 : vector<16xi32>
        %get3A_121 = arith.index_cast %multiple_of3A_116 : i32 to index
        %get3A_122 = tpu.vector_load %arg10[%get3A_121] {strides = array<i32>} : memref<4096xi32, #tpu.memory_space<vmem>>, vector<16xi32>,
        %get3A_123 = vector.shape_cast %get3A_122 : vector<16xi32> to vector<16xi32>
        %or3A = arith.ori %shift_left3A_120, %get3A_123 : vector<16xi32>
        %swap3A = arith.index_cast %multiple_of3A_116 : i32 to index
        %swap3A_124 = tpu.vector_load %arg12[%swap3A] {strides = array<i32>} : memref<4096xi32, #tpu.memory_space<vmem>>, vector<16xi32>,
        %swap3A_125 = vector.shape_cast %swap3A_124 : vector<16xi32> to vector<16xi32>
        %swap3A_126 = vector.shape_cast %or3A : vector<16xi32> to vector<16xi32>
        tpu.vector_store %arg12[%swap3A], %swap3A_126 {strides = array<i32>} : memref<4096xi32, #tpu.memory_space<vmem>>, vector<16xi32>,
        %scan3A_127 = arith.constant 1 : i32
        %scan3A_128 = arith.addi %scan3A_113, %scan3A_127 : i32
        %mul3A_129 = arith.constant 16 : i32
        %mul3A_130 = arith.muli %scan3A_128, %mul3A_129 : i32
        %multiple_of3A_131 = tpu.assume_multiple %mul3A_130, 16 : i32
        %get3A_132 = arith.index_cast %multiple_of3A_131 : i32 to index
        %get3A_133 = tpu.vector_load %arg8[%get3A_132] {strides = array<i32>} : memref<4096xi32, #tpu.memory_space<vmem>>, vector<16xi32>,
        %get3A_134 = vector.shape_cast %get3A_133 : vector<16xi32> to vector<16xi32>
        %shift_left3A_135 = arith.constant 10 : i32
        %shift_left3A_136 = vector.broadcast %shift_left3A_135 : i32 to vector<16xi32>
        %shift_left3A_137 = arith.shli %get3A_134, %shift_left3A_136 : vector<16xi32>
        %get3A_138 = arith.index_cast %multiple_of3A_131 : i32 to index
        %get3A_139 = tpu.vector_load %arg10[%get3A_138] {strides = array<i32>} : memref<4096xi32, #tpu.memory_space<vmem>>, vector<16xi32>,
        %get3A_140 = vector.shape_cast %get3A_139 : vector<16xi32> to vector<16xi32>
        %or3A_141 = arith.ori %shift_left3A_137, %get3A_140 : vector<16xi32>
        %swap3A_142 = arith.index_cast %multiple_of3A_131 : i32 to index
        %swap3A_143 = tpu.vector_load %arg12[%swap3A_142] {strides = array<i32>} : memref<4096xi32, #tpu.memory_space<vmem>>, vector<16xi32>,
        %swap3A_144 = vector.shape_cast %swap3A_143 : vector<16xi32> to vector<16xi32>
        %swap3A_145 = vector.shape_cast %or3A_141 : vector<16xi32> to vector<16xi32>
        tpu.vector_store %arg12[%swap3A_142], %swap3A_145 {strides = array<i32>} : memref<4096xi32, #tpu.memory_space<vmem>>, vector<16xi32>,
        %scan3A_146 = arith.constant 2 : i32
        %scan3A_147 = arith.addi %scan3A_113, %scan3A_146 : i32
        %mul3A_148 = arith.constant 16 : i32
        %mul3A_149 = arith.muli %scan3A_147, %mul3A_148 : i32
        %multiple_of3A_150 = tpu.assume_multiple %mul3A_149, 16 : i32
        %get3A_151 = arith.index_cast %multiple_of3A_150 : i32 to index
        %get3A_152 = tpu.vector_load %arg8[%get3A_151] {strides = array<i32>} : memref<4096xi32, #tpu.memory_space<vmem>>, vector<16xi32>,
        %get3A_153 = vector.shape_cast %get3A_152 : vector<16xi32> to vector<16xi32>
        %shift_left3A_154 = arith.constant 10 : i32
        %shift_left3A_155 = vector.broadcast %shift_left3A_154 : i32 to vector<16xi32>
        %shift_left3A_156 = arith.shli %get3A_153, %shift_left3A_155 : vector<16xi32>
        %get3A_157 = arith.index_cast %multiple_of3A_150 : i32 to index
        %get3A_158 = tpu.vector_load %arg10[%get3A_157] {strides = array<i32>} : memref<4096xi32, #tpu.memory_space<vmem>>, vector<16xi32>,
        %get3A_159 = vector.shape_cast %get3A_158 : vector<16xi32> to vector<16xi32>
        %or3A_160 = arith.ori %shift_left3A_156, %get3A_159 : vector<16xi32>
        %swap3A_161 = arith.index_cast %multiple_of3A_150 : i32 to index
        %swap3A_162 = tpu.vector_load %arg12[%swap3A_161] {strides = array<i32>} : memref<4096xi32, #tpu.memory_space<vmem>>, vector<16xi32>,
        %swap3A_163 = vector.shape_cast %swap3A_162 : vector<16xi32> to vector<16xi32>
        %swap3A_164 = vector.shape_cast %or3A_160 : vector<16xi32> to vector<16xi32>
        tpu.vector_store %arg12[%swap3A_161], %swap3A_164 {strides = array<i32>} : memref<4096xi32, #tpu.memory_space<vmem>>, vector<16xi32>,
        %scan3A_165 = arith.constant 3 : i32
        %scan3A_166 = arith.addi %scan3A_113, %scan3A_165 : i32
        %mul3A_167 = arith.constant 16 : i32
        %mul3A_168 = arith.muli %scan3A_166, %mul3A_167 : i32
        %multiple_of3A_169 = tpu.assume_multiple %mul3A_168, 16 : i32
        %get3A_170 = arith.index_cast %multiple_of3A_169 : i32 to index
        %get3A_171 = tpu.vector_load %arg8[%get3A_170] {strides = array<i32>} : memref<4096xi32, #tpu.memory_space<vmem>>, vector<16xi32>,
        %get3A_172 = vector.shape_cast %get3A_171 : vector<16xi32> to vector<16xi32>
        %shift_left3A_173 = arith.constant 10 : i32
        %shift_left3A_174 = vector.broadcast %shift_left3A_173 : i32 to vector<16xi32>
        %shift_left3A_175 = arith.shli %get3A_172, %shift_left3A_174 : vector<16xi32>
        %get3A_176 = arith.index_cast %multiple_of3A_169 : i32 to index
        %get3A_177 = tpu.vector_load %arg10[%get3A_176] {strides = array<i32>} : memref<4096xi32, #tpu.memory_space<vmem>>, vector<16xi32>,
        %get3A_178 = vector.shape_cast %get3A_177 : vector<16xi32> to vector<16xi32>
        %or3A_179 = arith.ori %shift_left3A_175, %get3A_178 : vector<16xi32>
        %swap3A_180 = arith.index_cast %multiple_of3A_169 : i32 to index
        %swap3A_181 = tpu.vector_load %arg12[%swap3A_180] {strides = array<i32>} : memref<4096xi32, #tpu.memory_space<vmem>>, vector<16xi32>,
        %swap3A_182 = vector.shape_cast %swap3A_181 : vector<16xi32> to vector<16xi32>
        %swap3A_183 = vector.shape_cast %or3A_179 : vector<16xi32> to vector<16xi32>
        tpu.vector_store %arg12[%swap3A_180], %swap3A_183 {strides = array<i32>} : memref<4096xi32, #tpu.memory_space<vmem>>, vector<16xi32>,
        %scan3A_184 = arith.constant 4 : i32
        %scan3A_185 = arith.addi %scan3A_113, %scan3A_184 : i32
        %mul3A_186 = arith.constant 16 : i32
        %mul3A_187 = arith.muli %scan3A_185, %mul3A_186 : i32
        %multiple_of3A_188 = tpu.assume_multiple %mul3A_187, 16 : i32
        %get3A_189 = arith.index_cast %multiple_of3A_188 : i32 to index
        %get3A_190 = tpu.vector_load %arg8[%get3A_189] {strides = array<i32>} : memref<4096xi32, #tpu.memory_space<vmem>>, vector<16xi32>,
        %get3A_191 = vector.shape_cast %get3A_190 : vector<16xi32> to vector<16xi32>
        %shift_left3A_192 = arith.constant 10 : i32
        %shift_left3A_193 = vector.broadcast %shift_left3A_192 : i32 to vector<16xi32>
        %shift_left3A_194 = arith.shli %get3A_191, %shift_left3A_193 : vector<16xi32>
        %get3A_195 = arith.index_cast %multiple_of3A_188 : i32 to index
        %get3A_196 = tpu.vector_load %arg10[%get3A_195] {strides = array<i32>} : memref<4096xi32, #tpu.memory_space<vmem>>, vector<16xi32>,
        %get3A_197 = vector.shape_cast %get3A_196 : vector<16xi32> to vector<16xi32>
        %or3A_198 = arith.ori %shift_left3A_194, %get3A_197 : vector<16xi32>
        %swap3A_199 = arith.index_cast %multiple_of3A_188 : i32 to index
        %swap3A_200 = tpu.vector_load %arg12[%swap3A_199] {strides = array<i32>} : memref<4096xi32, #tpu.memory_space<vmem>>, vector<16xi32>,
        %swap3A_201 = vector.shape_cast %swap3A_200 : vector<16xi32> to vector<16xi32>
        %swap3A_202 = vector.shape_cast %or3A_198 : vector<16xi32> to vector<16xi32>
        tpu.vector_store %arg12[%swap3A_199], %swap3A_202 {strides = array<i32>} : memref<4096xi32, #tpu.memory_space<vmem>>, vector<16xi32>,
        %scan3A_203 = arith.constant 5 : i32
        %scan3A_204 = arith.addi %scan3A_113, %scan3A_203 : i32
        %mul3A_205 = arith.constant 16 : i32
        %mul3A_206 = arith.muli %scan3A_204, %mul3A_205 : i32
        %multiple_of3A_207 = tpu.assume_multiple %mul3A_206, 16 : i32
        %get3A_208 = arith.index_cast %multiple_of3A_207 : i32 to index
        %get3A_209 = tpu.vector_load %arg8[%get3A_208] {strides = array<i32>} : memref<4096xi32, #tpu.memory_space<vmem>>, vector<16xi32>,
        %get3A_210 = vector.shape_cast %get3A_209 : vector<16xi32> to vector<16xi32>
        %shift_left3A_211 = arith.constant 10 : i32
        %shift_left3A_212 = vector.broadcast %shift_left3A_211 : i32 to vector<16xi32>
        %shift_left3A_213 = arith.shli %get3A_210, %shift_left3A_212 : vector<16xi32>
        %get3A_214 = arith.index_cast %multiple_of3A_207 : i32 to index
        %get3A_215 = tpu.vector_load %arg10[%get3A_214] {strides = array<i32>} : memref<4096xi32, #tpu.memory_space<vmem>>, vector<16xi32>,
        %get3A_216 = vector.shape_cast %get3A_215 : vector<16xi32> to vector<16xi32>
        %or3A_217 = arith.ori %shift_left3A_213, %get3A_216 : vector<16xi32>
        %swap3A_218 = arith.index_cast %multiple_of3A_207 : i32 to index
        %swap3A_219 = tpu.vector_load %arg12[%swap3A_218] {strides = array<i32>} : memref<4096xi32, #tpu.memory_space<vmem>>, vector<16xi32>,
        %swap3A_220 = vector.shape_cast %swap3A_219 : vector<16xi32> to vector<16xi32>
        %swap3A_221 = vector.shape_cast %or3A_217 : vector<16xi32> to vector<16xi32>
        tpu.vector_store %arg12[%swap3A_218], %swap3A_221 {strides = array<i32>} : memref<4096xi32, #tpu.memory_space<vmem>>, vector<16xi32>,
        %scan3A_222 = arith.constant 6 : i32
        %scan3A_223 = arith.addi %scan3A_113, %scan3A_222 : i32
        %mul3A_224 = arith.constant 16 : i32
        %mul3A_225 = arith.muli %scan3A_223, %mul3A_224 : i32
        %multiple_of3A_226 = tpu.assume_multiple %mul3A_225, 16 : i32
        %get3A_227 = arith.index_cast %multiple_of3A_226 : i32 to index
        %get3A_228 = tpu.vector_load %arg8[%get3A_227] {strides = array<i32>} : memref<4096xi32, #tpu.memory_space<vmem>>, vector<16xi32>,
        %get3A_229 = vector.shape_cast %get3A_228 : vector<16xi32> to vector<16xi32>
        %shift_left3A_230 = arith.constant 10 : i32
        %shift_left3A_231 = vector.broadcast %shift_left3A_230 : i32 to vector<16xi32>
        %shift_left3A_232 = arith.shli %get3A_229, %shift_left3A_231 : vector<16xi32>
        %get3A_233 = arith.index_cast %multiple_of3A_226 : i32 to index
        %get3A_234 = tpu.vector_load %arg10[%get3A_233] {strides = array<i32>} : memref<4096xi32, #tpu.memory_space<vmem>>, vector<16xi32>,
        %get3A_235 = vector.shape_cast %get3A_234 : vector<16xi32> to vector<16xi32>
        %or3A_236 = arith.ori %shift_left3A_232, %get3A_235 : vector<16xi32>
        %swap3A_237 = arith.index_cast %multiple_of3A_226 : i32 to index
        %swap3A_238 = tpu.vector_load %arg12[%swap3A_237] {strides = array<i32>} : memref<4096xi32, #tpu.memory_space<vmem>>, vector<16xi32>,
        %swap3A_239 = vector.shape_cast %swap3A_238 : vector<16xi32> to vector<16xi32>
        %swap3A_240 = vector.shape_cast %or3A_236 : vector<16xi32> to vector<16xi32>
        tpu.vector_store %arg12[%swap3A_237], %swap3A_240 {strides = array<i32>} : memref<4096xi32, #tpu.memory_space<vmem>>, vector<16xi32>,
        %scan3A_241 = arith.constant 7 : i32
        %scan3A_242 = arith.addi %scan3A_113, %scan3A_241 : i32
        %mul3A_243 = arith.constant 16 : i32
        %mul3A_244 = arith.muli %scan3A_242, %mul3A_243 : i32
        %multiple_of3A_245 = tpu.assume_multiple %mul3A_244, 16 : i32
        %get3A_246 = arith.index_cast %multiple_of3A_245 : i32 to index
        %get3A_247 = tpu.vector_load %arg8[%get3A_246] {strides = array<i32>} : memref<4096xi32, #tpu.memory_space<vmem>>, vector<16xi32>,
        %get3A_248 = vector.shape_cast %get3A_247 : vector<16xi32> to vector<16xi32>
        %shift_left3A_249 = arith.constant 10 : i32
        %shift_left3A_250 = vector.broadcast %shift_left3A_249 : i32 to vector<16xi32>
        %shift_left3A_251 = arith.shli %get3A_248, %shift_left3A_250 : vector<16xi32>
        %get3A_252 = arith.index_cast %multiple_of3A_245 : i32 to index
        %get3A_253 = tpu.vector_load %arg10[%get3A_252] {strides = array<i32>} : memref<4096xi32, #tpu.memory_space<vmem>>, vector<16xi32>,
        %get3A_254 = vector.shape_cast %get3A_253 : vector<16xi32> to vector<16xi32>
        %or3A_255 = arith.ori %shift_left3A_251, %get3A_254 : vector<16xi32>
        %swap3A_256 = arith.index_cast %multiple_of3A_245 : i32 to index
        %swap3A_257 = tpu.vector_load %arg12[%swap3A_256] {strides = array<i32>} : memref<4096xi32, #tpu.memory_space<vmem>>, vector<16xi32>,
        %swap3A_258 = vector.shape_cast %swap3A_257 : vector<16xi32> to vector<16xi32>
        %swap3A_259 = vector.shape_cast %or3A_255 : vector<16xi32> to vector<16xi32>
        tpu.vector_store %arg12[%swap3A_256], %swap3A_259 {strides = array<i32>} : memref<4096xi32, #tpu.memory_space<vmem>>, vector<16xi32>,
      }
      %scan3A_100 = arith.constant 256 : i32
      %ge3A_101 = arith.constant 2 : i32
      %ge3A_102 = arith.cmpi sge, %add3A_75, %ge3A_101 : i32
      %convert_element_type3A_103 = arith.extui %ge3A_102 : i1 to i32
      %cond3A_104 = arith.constant 0 : i32
      %cond3A_105 = arith.cmpi ne, %convert_element_type3A_103, %cond3A_104 : i32
      scf.if %cond3A_105 {
        %sub3A = arith.constant 2 : i32
        %sub3A_113 = arith.subi %add3A_75, %sub3A : i32
        %mul3A_114 = arith.constant 4096 : i32
        %mul3A_115 = arith.muli %sub3A_113, %mul3A_114 : i32
        %add3A_116 = arith.addi %mul3A_2, %mul3A_115 : i32
        %multiple_of3A_117 = tpu.assume_multiple %add3A_116, 4096 : i32
        %dma_wait3A_118 = tpu.memref_slice %arg5[%multiple_of3A_117] : memref<4194304xf32, #tpu.memory_space<hbm>> -> memref<4096xf32, #tpu.memory_space<hbm>>
        %dma_wait3A_119 = tpu.memref_slice %arg5[%multiple_of3A_117] : memref<4194304xf32, #tpu.memory_space<hbm>> -> memref<4096xf32, #tpu.memory_space<hbm>>
        tpu.wait_dma2 semaphore(%arg20 : memref<!tpu.dma_semaphore, #tpu.memory_space<semaphore_mem>>) src(%arg14 : memref<4096xf32, #tpu.memory_space<vmem>>) dst(%dma_wait3A_119 : memref<4096xf32, #tpu.memory_space<hbm>>)
      } else {
      }
      %dma_start3A_106 = arith.constant 0 : i32
      %dma_start3A_107 = tpu.memref_slice %arg6[%dma_start3A_106] : memref<1048576xf32, #tpu.memory_space<vmem_shared>> -> memref<1048576xf32, #tpu.memory_space<vmem_shared>>
      tpu.enqueue_indirect_dma source(%dma_start3A_107 : memref<1048576xf32, #tpu.memory_space<vmem_shared>>) target(%arg14 : memref<4096xf32, #tpu.memory_space<vmem>>) offsets(%arg12 : memref<4096xi32, #tpu.memory_space<vmem>>) semaphore(%arg18 : memref<!tpu.dma_semaphore, #tpu.memory_space<semaphore_mem>>)
      %ge3A_108 = arith.constant 1 : i32
      %ge3A_109 = arith.cmpi sge, %add3A_75, %ge3A_108 : i32
      %convert_element_type3A_110 = arith.extui %ge3A_109 : i1 to i32
      %cond3A_111 = arith.constant 0 : i32
      %cond3A_112 = arith.cmpi ne, %convert_element_type3A_110, %cond3A_111 : i32
      scf.if %cond3A_112 {
        %dma_wait3A_113 = arith.constant 0 : i32
        %dma_wait3A_114 = tpu.memref_slice %arg6[%dma_wait3A_113] : memref<1048576xf32, #tpu.memory_space<vmem_shared>> -> memref<1048576xf32, #tpu.memory_space<vmem_shared>>
        tpu.wait_indirect_dma semaphore(%arg17 : memref<!tpu.dma_semaphore, #tpu.memory_space<semaphore_mem>>) src(%dma_wait3A_114 : memref<1048576xf32, #tpu.memory_space<vmem_shared>>) dst(%arg13 : memref<4096xf32, #tpu.memory_space<vmem>>)
        %sub3A = arith.constant 1 : i32
        %sub3A_115 = arith.subi %add3A_75, %sub3A : i32
        %mul3A_116 = arith.constant 4096 : i32
        %mul3A_117 = arith.muli %sub3A_115, %mul3A_116 : i32
        %add3A_118 = arith.addi %mul3A_2, %mul3A_117 : i32
        %multiple_of3A_119 = tpu.assume_multiple %add3A_118, 4096 : i32
        %dma_start3A_120 = tpu.memref_slice %arg5[%multiple_of3A_119] : memref<4194304xf32, #tpu.memory_space<hbm>> -> memref<4096xf32, #tpu.memory_space<hbm>>
        %dma_start3A_121 = tpu.memref_slice %arg5[%multiple_of3A_119] : memref<4194304xf32, #tpu.memory_space<hbm>> -> memref<4096xf32, #tpu.memory_space<hbm>>
        tpu.enqueue_dma source(%arg13 : memref<4096xf32, #tpu.memory_space<vmem>>) target(%dma_start3A_121 : memref<4096xf32, #tpu.memory_space<hbm>>) target_semaphore(%arg19 : memref<!tpu.dma_semaphore, #tpu.memory_space<semaphore_mem>>)
      } else {
      }
    }
    %scan3A_19 = arith.constant 16 : i32
    %dma_wait3A = arith.constant 0 : i32
    %dma_wait3A_20 = tpu.memref_slice %arg6[%dma_wait3A] : memref<1048576xf32, #tpu.memory_space<vmem_shared>> -> memref<1048576xf32, #tpu.memory_space<vmem_shared>>
    tpu.wait_indirect_dma semaphore(%arg18 : memref<!tpu.dma_semaphore, #tpu.memory_space<semaphore_mem>>) src(%dma_wait3A_20 : memref<1048576xf32, #tpu.memory_space<vmem_shared>>) dst(%arg14 : memref<4096xf32, #tpu.memory_space<vmem>>)
    %add3A_21 = arith.constant 126976 : i32
    %add3A_22 = arith.addi %mul3A_2, %add3A_21 : i32
    %multiple_of3A_23 = tpu.assume_multiple %add3A_22, 4096 : i32
    %dma_start3A_24 = tpu.memref_slice %arg5[%multiple_of3A_23] : memref<4194304xf32, #tpu.memory_space<hbm>> -> memref<4096xf32, #tpu.memory_space<hbm>>
    %dma_start3A_25 = tpu.memref_slice %arg5[%multiple_of3A_23] : memref<4194304xf32, #tpu.memory_space<hbm>> -> memref<4096xf32, #tpu.memory_space<hbm>>
    tpu.enqueue_dma source(%arg14 : memref<4096xf32, #tpu.memory_space<vmem>>) target(%dma_start3A_25 : memref<4096xf32, #tpu.memory_space<hbm>>) target_semaphore(%arg20 : memref<!tpu.dma_semaphore, #tpu.memory_space<semaphore_mem>>)
    %add3A_26 = arith.constant 122880 : i32
    %add3A_27 = arith.addi %mul3A_2, %add3A_26 : i32
    %multiple_of3A_28 = tpu.assume_multiple %add3A_27, 4096 : i32
    %dma_wait3A_29 = tpu.memref_slice %arg5[%multiple_of3A_28] : memref<4194304xf32, #tpu.memory_space<hbm>> -> memref<4096xf32, #tpu.memory_space<hbm>>
    %dma_wait3A_30 = tpu.memref_slice %arg5[%multiple_of3A_28] : memref<4194304xf32, #tpu.memory_space<hbm>> -> memref<4096xf32, #tpu.memory_space<hbm>>
    tpu.wait_dma2 semaphore(%arg19 : memref<!tpu.dma_semaphore, #tpu.memory_space<semaphore_mem>>) src(%arg13 : memref<4096xf32, #tpu.memory_space<vmem>>) dst(%dma_wait3A_30 : memref<4096xf32, #tpu.memory_space<hbm>>)
    %add3A_31 = arith.constant 126976 : i32
    %add3A_32 = arith.addi %mul3A_2, %add3A_31 : i32
    %multiple_of3A_33 = tpu.assume_multiple %add3A_32, 4096 : i32
    %dma_wait3A_34 = tpu.memref_slice %arg5[%multiple_of3A_33] : memref<4194304xf32, #tpu.memory_space<hbm>> -> memref<4096xf32, #tpu.memory_space<hbm>>
    %dma_wait3A_35 = tpu.memref_slice %arg5[%multiple_of3A_33] : memref<4194304xf32, #tpu.memory_space<hbm>> -> memref<4096xf32, #tpu.memory_space<hbm>>
    tpu.wait_dma2 semaphore(%arg20 : memref<!tpu.dma_semaphore, #tpu.memory_space<semaphore_mem>>) src(%arg14 : memref<4096xf32, #tpu.memory_space<vmem>>) dst(%dma_wait3A_35 : memref<4096xf32, #tpu.memory_space<hbm>>)
    return
  }
}

</mosaic_0001>

<sc_bundles>
// kernel: kernel.3.cloned.1.call-start
scs
__scs_entry_jumppad:
0x0: {  	(pc) =	sbr.rel $0x88, $3  }
0x1: {  	(tag) =	ssettag $0x0;
	lr =	simm.s32 $0x1  }
0x2: {  	[smem:$0x3F9E] =	sst lr;
	_ =	strace $0xD0000000  }
0x3: {  	_ = 	snop  }
0x4: {  	_ = 	snop  }
0x5: {  	_ = 	snop  }
0x6: {  	_ = 	snop  }
0x7: {  	_ = 	snop  }
__scs_overlays_trampoline_lowered:
0x8: {  	[smem:$0x3FAD] =	sst s0  }
0x9: {  	[smem:$0x3FAE] =	sst s1  }
0xa: {  	[smem:$0x3FAF] =	sst s2  }
0xb: {  	[smem:$0x3FB0] =	sst s3  }
0xc: {  	[smem:$0x3FB1] =	sst s4  }
0xd: {  	[smem:$0x3FB2] =	sst s5  }
0xe: {  	[smem:$0x3FB3] =	sst s6  }
0xf: {  	[smem:$0x3FB4] =	sst s7  }
0x10: {  	[smem:$0x3FB5] =	sst s8  }
0x11: {  	[smem:$0x3FB6] =	sst s9;
	s0 =	simm.s32 @!p0 $0x0  }
0x12: {  	s1 =	sld [smem:$0x3F9C];
	s0 =	simm.s32 @p0 $0x1  }
0x13: {  	[smem:$0x3FB7] =	sst s0;
	s0 =	simm.s32 @!p1 $0x0  }
0x14: {  	s2 =	sld [smem:$0x3F9B];
	s0 =	simm.s32 @p1 $0x1  }
0x15: {  	[smem:$0x3FB8] =	sst s0;
	s0 =	simm.s32 @!p2 $0x0  }
0x16: {  	s3 =	sld [smem:$0x3FDB];
	s0 =	simm.s32 @p2 $0x1  }
0x17: {  	s4 =	simm.s32 $0x1BF5;
	[smem:$0x3FBA] =	sst s0  }
0x18: {  	s0 =	sld [smem:$0x3F9D];
	_ =	swait.ge [sflag:s4], $0x0  }
0x19: {  	s7 =	sld [smem:$0x3F9E]  }
0x1a: {  	s8 =	sadd.s32 $0xFFFFE003, lr  }
0x1b: {  	s9 =	sadd.s32 $0xFFFFFEF7, lr;
	s5 =	simm.s32 $0xFFFFFFFF;
	p2 =	slt.u32 s8, $0xFFFFF086  }
0x1c: {  	p1 =	slt.u32 s9, $0xF7A;
	s5 =	simm.s32 @!p2 $0x0  }
0x1d: {  	s5 =	simm.s32 @p1 $0x1;
	p0 =	seq.s32 s7, s2  }
0x1e: {  	s7 =	smul.u32 @!p0 $0xF7A, s2;
	p2 =	seq.s32 @!p0 s5, $0x0  }
0x1f: {  	s9 =	smul.u32 $0xF7A, s1;
	s8 =	simm.s32 @!p0 $0x1BF5;
	p2 =	por !p2, p0  }
0x20: {  	[sflag:s8] =	ssyncset.s32 @!p0 $0xFFFFF086;
	s6 =	sadd.s32 @!p0 s3, s7;
	s7 =	simm.s32 @!p0 $0x108  }
0x21: {  	s3 =	sadd.s32 s3, s9;
	s6 =	sadd.s32 @!p0 $0x88, s6;
	s7 =	simm.s32 @p2 $0x1082  }
0x22: {  	[simem:s7], [sflag:s8] =	dma.local @!p0 [hbm:s6], $0xF7A  }
0x23: {  	s9 =	sor.u32 $0xD0000000, s2;
	s6 =	simm.s32 $0x108;
	_ =	swait.ge @!p0 [sflag:s8], $0x0  }
0x24: {  	s3 =	sadd.s32 $0x88, s3;
	s6 =	simm.s32 @!p1 $0x1082;
	[sflag:s4] =	ssyncset.s32 $0xFFFFF086  }
0x25: {  	[simem:s6], [sflag:s4] =	dma.local [hbm:s3], $0xF7A  }
0x26: {  	[smem:$0x3F9E] =	sst s1;
	(tag) =	ssettag s2;
	_ =	strace s9  }
0x27: {  	s1 =	sld [smem:$0x3FAE]  }
0x28: {  	s2 =	sld [smem:$0x3FAF]  }
0x29: {  	s4 =	sld [smem:$0x3FB1]  }
0x2a: {  	p0 =	seq.s32 s5, $0x0;
	s5 =	sld [smem:$0x3FB2]  }
0x2b: {  	s6 =	sld [smem:$0x3FB3]  }
0x2c: {  	s7 =	sld [smem:$0x3FB4]  }
0x2d: {  	s3 =	simm.s32 $0x108;
	s8 =	sld [smem:$0x3FB5]  }
0x2e: {  	s3 =	simm.s32 @!p0 $0x1082;
	s9 =	sld [smem:$0x3FB6]  }
0x2f: {  	lr =	sadd.s32 s0, s3;
	s0 =	sld [smem:$0x3FAD]  }
0x30: {  	s3 =	sld [smem:$0x3FB0]  }
0x31: {  	[smem:$0x3FB9] =	sst s10  }
0x32: {  	s10 =	sld [smem:$0x3FB7];
	_ =	sdelay $0x3  }
0x33: {  	p0 =	seq.s32 s10, $0x1;
	s10 =	sld [smem:$0x3FB9];
	_ =	sdelay $0x3  }
0x34: {  	[smem:$0x3FB9] =	sst s10  }
0x35: {  	s10 =	sld [smem:$0x3FB8];
	_ =	sdelay $0x3  }
0x36: {  	p1 =	seq.s32 s10, $0x1;
	s10 =	sld [smem:$0x3FB9];
	_ =	sdelay $0x3  }
0x37: {  	[smem:$0x3FB9] =	sst s10  }
0x38: {  	s10 =	sld [smem:$0x3FBA]  }
0x39: {  	_ = 	snop;
	(pc) =	sbr.ind lr, $3  }
0x3a: {  	_ = 	snop  }
0x3b: {  	_ = 	snop  }
0x3c: {  	p2 =	seq.s32 s10, $0x1;
	s10 =	sld [smem:$0x3FB9]  }
0x3d: {  	_ =	shalt  }
0x3e: {  	_ =	shalt  }
0x3f: {  	_ =	shalt  }
0x40: {  	_ =	shalt  }
0x41: {  	_ =	shalt  }
0x42: {  	_ =	shalt  }
0x43: {  	_ =	shalt  }
0x44: {  	_ =	shalt  }
0x45: {  	_ =	shalt  }
0x46: {  	_ =	shalt  }
0x47: {  	_ =	shalt  }
0x48: {  	_ =	shalt  }
0x49: {  	_ =	shalt  }
0x4a: {  	_ =	shalt  }
0x4b: {  	_ =	shalt  }
0x4c: {  	_ =	shalt  }
0x4d: {  	_ =	shalt  }
0x4e: {  	_ =	shalt  }
0x4f: {  	_ =	shalt  }
0x50: {  	_ =	shalt  }
0x51: {  	_ =	shalt  }
0x52: {  	_ =	shalt  }
0x53: {  	_ =	shalt  }
0x54: {  	_ =	shalt  }
0x55: {  	_ =	shalt  }
0x56: {  	_ =	shalt  }
0x57: {  	_ =	shalt  }
0x58: {  	_ =	shalt  }
0x59: {  	_ =	shalt  }
0x5a: {  	_ =	shalt  }
0x5b: {  	_ =	shalt  }
0x5c: {  	_ =	shalt  }
0x5d: {  	_ =	shalt  }
0x5e: {  	_ =	shalt  }
0x5f: {  	_ =	shalt  }
0x60: {  	_ =	shalt  }
0x61: {  	_ =	shalt  }
0x62: {  	_ =	shalt  }
0x63: {  	_ =	shalt  }
0x64: {  	_ =	shalt  }
0x65: {  	_ =	shalt  }
0x66: {  	_ =	shalt  }
0x67: {  	_ =	shalt  }
0x68: {  	_ =	shalt  }
0x69: {  	_ =	shalt  }
0x6a: {  	_ =	shalt  }
0x6b: {  	_ =	shalt  }
0x6c: {  	_ =	shalt  }
0x6d: {  	_ =	shalt  }
0x6e: {  	_ =	shalt  }
0x6f: {  	_ =	shalt  }
0x70: {  	_ =	shalt  }
0x71: {  	_ =	shalt  }
0x72: {  	_ =	shalt  }
0x73: {  	_ =	shalt  }
0x74: {  	_ =	shalt  }
0x75: {  	_ =	shalt  }
0x76: {  	_ =	shalt  }
0x77: {  	_ =	shalt  }
0x78: {  	_ =	shalt  }
0x79: {  	_ =	shalt  }
0x7a: {  	_ =	shalt  }
0x7b: {  	_ =	shalt  }
0x7c: {  	_ =	shalt  }
0x7d: {  	_ =	shalt  }
0x7e: {  	_ =	shalt  }
0x7f: {  	_ =	shalt  }
0x80: {  	_ =	shalt  }
0x81: {  	_ =	shalt  }
0x82: {  	_ =	shalt  }
0x83: {  	_ =	shalt  }
0x84: {  	_ =	shalt  }
0x85: {  	_ =	shalt  }
0x86: {  	_ =	shalt  }
0x87: {  	_ =	shalt  }
.Lfunc_end0:
.L_simem_size_0:
called_computation_lowered:
.L_overlay_start_0:
0x88: {  	s2 =	sld [smem:$0x3FD9]  }
0x89: {  	s3 =	sld [smem:$0x3FFE];
	_ =	sdelay $0x1  }
0x8a: {  	s1 =	srdreg.scid  }
0x8b: {  	s0 =	sand.u32 $0x1, s1  }
0x8c: {  	s17 =	sshll.u32 s0, $0xA;
	s2 =	sadd.s32 s3, s2  }
0x8d: {  	s2 =	sadd.s32 s2, s17  }
0x8e: {  	[smem:$0x3FC5] =	sst s2  }
0x8f: {  	_ = 	snop  }
0x90: {  	s2 =	sld [smem:$0x3FC9]  }
0x91: {  	s18 =	sld [smem:$0x3FC8]  }
0x92: {  	s4 =	sld [smem:$0x3FD0];
	(tm) =	ssettm $0x1  }
0x93: {  	s5 =	sld [smem:$0x3FFB];
	_ =	sdelay $0x3  }
0x94: {  	_ =	strace s5  }
0x95: {  	s5 =	sld [smem:$0x3FFC];
	_ =	sdelay $0x3  }
0x96: {  	_ =	strace s5  }
0x97: {  	s5 =	sld [smem:$0x3FFD];
	_ =	sdelay $0x3  }
0x98: {  	_ =	strace s5  }
0x99: {  	_ =	strace $0x8FFFFFFF  }
0x9a: {  	s19 =	sld [smem:$0x3FDB];
	_ =	sdelay $0x1  }
0x9b: {  	s6 =	simm.s32 $_scs_section_size  }
0x9c: {  	s7 =	simm.s32 $_size__tile_overlayer_lowered;
	s8 =	simm.s32 $_tile_overlayer_lowered  }
0x9d: {  	s22 =	simm.s32 $0x1BFF;
	s21 =	sshll.u32 s8, $0x1;
	s5 =	sadd.s32 s6, s19  }
0x9e: {  	s9 =	simm.s32 $0x0;
	s20 =	sshll.u32 s7, $0x1;
	s7 =	sadd.s32 s21, s5  }
0x9f: {  	[timem:s9], [sflag:s22] =	dma.local [hbm:s7], s20  }
0xa0: {  	_ =	swait.ge [sflag:s22], s20  }
0xa1: {  	s6 =	ssub.s32 $0x0, s20;
	[sflag:s22] =	ssyncset.done $0x0  }
0xa2: {  	[sflag:s22] =	ssyncadd.s32 s6;
	_ =	sdelay $0x1  }
0xa3: {  	s23 =	simm.s32 $0x1B8B  }
0xa4: {  	_ =	swait.ge [sflag:s23], $0x1  }
0xa5: {  	[sflag:s23] =	ssyncset.done $0x0  }
0xa6: {  	s25 =	simm.s32 $0x1B8E;
	s24 =	sld [smem:$0x3FFE];
	[sflag:s23] =	ssyncadd.s32 $0xFFFFFFFF  }
0xa7: {  	s26 =	simm.s32 $execute0_lowered;
	[smem:$0x3FD2] =	sst s25  }
0xa8: {  	s7 =	sshll.u32 s26, $0x1;
	_ =	strace $0x80000046;
	[dreg:$0x1] =	wrdreg $0xFFFFFFFF  }
0xa9: {  	s28 =	simm.s32 $_size_execute0_lowered;
	s5 =	sadd.s32 s5, s7;
	[dreg:$0x0] =	wrdreg $0x0  }
0xaa: {  	s7 =	sshll.u32 s28, $0x1;
	[dreg:$0x2] =	wrdreg s5  }
0xab: {  	[dreg:$0x3] =	wrdreg s7  }
0xac: {  	[dreg:$0x4] =	wrdreg $0xC0  }
0xad: {  	_ =	task [dreg:s9], $0x5FFFF  }
0xae: {  	[dreg:$0x1] =	wrdreg $0xFFFFFFFF  }
0xaf: {  	[dreg:$0x0] =	wrdreg $0x60  }
0xb0: {  	[dreg:$0x2] =	wrdreg s2  }
0xb1: {  	[dreg:$0x3] =	wrdreg s18  }
0xb2: {  	[dreg:$0x4] =	wrdreg s24  }
0xb3: {  	[dreg:$0x5] =	wrdreg s4  }
0xb4: {  	[dreg:$0x6] =	wrdreg $0x0  }
0xb5: {  	[dreg:$0x7] =	wrdreg $0x9  }
0xb6: {  	_ =	task.clear_ibuf [dreg:s9], $0x8FFFF;
	_ =	strace $0x90000046  }
0xb7: {  	s29 =	simm.s32 $0x9;
	_ =	strace $0x80000048  }
0xb8: {  	_ =	swait.ge [sflag:s29], $0x1  }
0xb9: {  	[sflag:s29] =	ssyncadd.s32 $0xFFFFFFFF  }
0xba: {  	_ =	strace $0x90000048  }
0xbb: {  	_ =	sfence  }
0xbc: {  	s30 =	sld [smem:$0x0];
	_ =	sdelay $0x2  }
0xbd: {  	s31 =	sshll.u32 s1, $0xD;
	s1 =	sshrl.u32 s1, $0x2  }
0xbe: {  	s3 =	sand.u32 $0x4000, s31;
	s1 =	sadd.s32 s1, s30  }
0xbf: {  	s0 =	sor.u32 s3, s0;
	s1 =	sshll.u32 s1, $0x11  }
0xc0: {  	s0 =	sor.u32 s1, s0  }
0xc1: {  	s0 =	sadd.s32 $0x8F2B, s0  }
0xc2: {  	[sflag:s0] =	ssyncadd.remote.s32 $0x1  }
0xc3: {  	_ =	sfence.sel $0xFFFF  }
0xc4: {  	[dreg:$0x0] =	wrdreg $0xFFFFFFFF;
	(pc) =	sbr.abs _section_cstart, $3  }
0xc5: {  	[dreg:$0x1] =	wrdreg $0xFFFFFFFF  }
0xc6: {  	_ =	task.clear_ibuf [dreg:s9], $0x2FFFF;
	_ =	strace $0x9FFFFFFF  }
0xc7: {  	(tm) =	ssettm $0x7FFFFFFF  }
tec
execute0_lowered:
.L_overlay_start_1:
0x0: {  	(tag) =	ssettag $0x1  }
0x1: {  	s1 =	rddreg [dreg:$0x0]  }
0x2: {  	s2 =	rddreg [dreg:$0x1]  }
0x3: {  	s0 =	rddreg [dreg:$0x2]  }
0x4: {  	s3 =	rddreg [dreg:$0x3]  }
0x5: {  	s4 =	rddreg [dreg:$0x4]  }
0x6: {  	s6 =	simm.s32 $0x0;
	s5 =	srdreg.scid;
	s12 =	stileid.u32  }
0x7: {  	s16 =	simm.s32 $0x10000;
	s17 =	simm.s32 $0x12000;
	s28 =	simm.s32 $0x15000  }
0x8: {  	s29 =	simm.s32 $0x17000;
	s30 =	simm.s32 $0x3;
	s31 =	simm.s32 $0x4  }
0x9: {  	[smem:$0x7FF] =	sst s6;
	s5 =	sand.u32 $0x1, s5;
	s9 =	sshll.u32 s12, $0x12  }
0xa: {  	s10 =	sshll.u32 s12, $0xD;
	s23 =	sshll.u32 s12, $0x6;
	_ =	strace $0x80000047  }
0xb: {  	s8 =	ssub.s32 $0x2, s5;
	s5 =	sshll.u32 s5, $0x11;
	s0 =	sadd.s32 s10, s0  }
0xc: {  	s11 =	sshrl.u32 s8, $0x1;
	s7 =	sor.u32 s5, s9;
	s9 =	sshrl.u32 s9, $0x2  }
0xd: {  	s0 =	sadd.s32 $0x400, s0;
	s5 =	simm.s32 $0x6;
	s19 =	ssub.s32 s8, s11  }
0xe: {  	s20 =	sshrl.u32 s7, $0x3;
	s9 =	sadd.s32 s9, s4;
	[dreg:$0x8] =	wrdreg s0  }
0xf: {  	s0 =	sor.u32 $0x1C07, s23;
	s12 =	sadd.s32 $0xFFFFF000, s7;
	s13 =	sor.u32 $0x2000, s7  }
0x10: {  	s23 =	simm.s32 $0x1000;
	s21 =	sadd.s32 s1, s20;
	[dreg:$0x9] =	wrdreg s0  }
0x11: {  	s8 =	simm.s32 $0x0;
	s22 =	sadd.s32 s2, s20;
	[dreg:$0x6] =	wrdreg s21  }
0x12: {  	s24 =	sadd.s32 s20, s3;
	s25 =	smax.u32 s19, $0x1;
	[dreg:$0x7] =	wrdreg s22  }
0x13: {  	s26 =	sshrl.u32 s9, $0x3;
	s20 =	simm.s32 $0x11000;
	[dreg:$0xb] =	wrdreg s25  }
0x14: {  	s0 =	sadd.s32 $0x3E00, s24;
	[dreg:$0xc] =	wrdreg s26;
	s21 =	simm.s32 $0x13000  }
0x15: {  	s22 =	simm.s32 $0x1;
	s24 =	simm.s32 $0x14000;
	s25 =	simm.s32 $0x16000  }
0x16: {  	s26 =	simm.s32 $0x2;
	[dreg:$0xa] =	wrdreg s0;
	s0 =	simm.s32 $0x5  }
.LBB2_1:
0x17: {  	s9 =	rddreg [dreg:$0x6]  }
0x18: {  	s15 =	rddreg [dreg:$0x7]  }
0x19: {  	s18 =	rddreg [dreg:$0x8]  }
0x1a: {  	s10 =	rddreg [dreg:$0x9]  }
0x1b: {  	[tilespmem:s16], [sflag:$0x1] =	stream.linear.gather [hbm4b:s9+s6], $0x1000, $0x38;
	[tilespmem:$0x18000] =	vst v63  }
0x1c: {  	s11 =	rddreg [dreg:$0xc];
	s19 =	simm.s32 $0x7  }
0x1d: {  	[tilespmem:s17], [sflag:$0x1] =	stream.linear.gather [hbm4b:s15+s6], $0x1000, $0x38;
	[tilespmem:$0x18000] =	vst v63  }
0x1e: {  	[spmem:s11], [sflag:s10] =	dma.local [hbm:s18], $0x2000  }
0x1f: {  	_ =	swait.ge [sflag:s19], $0x2000  }
0x20: {  	[sflag:s19] =	ssyncset.done $0x0  }
0x21: {  	[sflag:s19] =	ssyncadd.s32 $0xFFFFE000  }
0x22: {  	s9 =	simm.s32 $0x0;
	[bflag:$0x0] =	sbarrier.arrive $0xFFFF  }
.LBB2_2:
0x23: {  	s11 =	sshll.u32 s9, $0xD  }
0x24: {  	s10 =	sor.u32 s11, s7  }
0x25: {  	s10 =	sshrl.u32 s10, $0x3  }
0x26: {  	s14 =	sor.u32 $0x200, s10  }
0x27: {  	s15 =	sadd.s32 s1, s14  }
0x28: {  	[tilespmem:s20], [sflag:$0x2] =	stream.linear.gather [hbm4b:s15+s6], $0x1000, $0x38;
	[tilespmem:$0x18000] =	vst v63  }
0x29: {  	s14 =	sadd.s32 s2, s14  }
0x2a: {  	[tilespmem:s21], [sflag:$0x2] =	stream.linear.gather [hbm4b:s14+s6], $0x1000, $0x38;
	[tilespmem:$0x18000] =	vst v63  }
0x2b: {  	_ =	swait.ge [sflag:s22], $0x1000  }
0x2c: {  	[sflag:s22] =	ssyncset.done $0x0  }
0x2d: {  	[sflag:s22] =	ssyncadd.s32 $0xFFFFF000  }
0x2e: {  	_ =	swait.ge [sflag:s22], $0x1000  }
0x2f: {  	[sflag:s22] =	ssyncset.done $0x0  }
0x30: {  	s18 =	simm.s32 $0x10040;
	[sflag:s22] =	ssyncadd.s32 $0xFFFFF000  }
0x31: {  	s14 =	simm.s32 $0x12040;
	v0 =	vld [tilespmem:s18+$0xFFFFFFC0]  }
0x32: {  	v1 =	vld [tilespmem:s14+$0xFFFFFFC0];
	_ =	sdelay $0x3  }
0x33: {  	v0 =	vshll.u32 v0, $0xA  }
0x34: {  	s15 =	simm.s32 $0x14040;
	v0 =	vor.u32 v1, v0  }
0x35: {  	[tilespmem:s15+$0xFFFFFFC0] =	vst v0  }
0x36: {  	v0 =	vld [tilespmem:s18+$0xFFFFFFD0]  }
0x37: {  	v57 =	vld [tilespmem:s14+$0xFFFFFFD0];
	_ =	sdelay $0x3  }
0x38: {  	v0 =	vshll.u32 v0, $0xA  }
0x39: {  	v0 =	vor.u32 v57, v0  }
0x3a: {  	[tilespmem:s15+$0xFFFFFFD0] =	vst v0  }
0x3b: {  	v0 =	vld [tilespmem:s18+$0xFFFFFFE0]  }
0x3c: {  	v58 =	vld [tilespmem:s14+$0xFFFFFFE0];
	_ =	sdelay $0x3  }
0x3d: {  	v0 =	vshll.u32 v0, $0xA  }
0x3e: {  	v0 =	vor.u32 v58, v0  }
0x3f: {  	[tilespmem:s15+$0xFFFFFFE0] =	vst v0  }
0x40: {  	v0 =	vld [tilespmem:s18+$0xFFFFFFF0]  }
0x41: {  	v59 =	vld [tilespmem:s14+$0xFFFFFFF0];
	_ =	sdelay $0x3  }
0x42: {  	v0 =	vshll.u32 v0, $0xA  }
0x43: {  	v0 =	vor.u32 v59, v0  }
0x44: {  	[tilespmem:s15+$0xFFFFFFF0] =	vst v0  }
0x45: {  	v0 =	vld [tilespmem:s18+$0x0]  }
0x46: {  	v60 =	vld [tilespmem:s14+$0x0];
	_ =	sdelay $0x3  }
0x47: {  	v0 =	vshll.u32 v0, $0xA  }
0x48: {  	v0 =	vor.u32 v60, v0  }
0x49: {  	[tilespmem:s15+$0x0] =	vst v0  }
0x4a: {  	v0 =	vld [tilespmem:s18+$0x10]  }
0x4b: {  	v61 =	vld [tilespmem:s14+$0x10];
	_ =	sdelay $0x3  }
0x4c: {  	v0 =	vshll.u32 v0, $0xA  }
0x4d: {  	v0 =	vor.u32 v61, v0  }
0x4e: {  	[tilespmem:s15+$0x10] =	vst v0  }
0x4f: {  	v0 =	vld [tilespmem:s18+$0x20]  }
0x50: {  	v62 =	vld [tilespmem:s14+$0x20];
	_ =	sdelay $0x3  }
0x51: {  	v0 =	vshll.u32 v0, $0xA  }
0x52: {  	v0 =	vor.u32 v62, v0  }
0x53: {  	[tilespmem:s15+$0x20] =	vst v0  }
0x54: {  	v0 =	vld [tilespmem:s18+$0x30]  }
0x55: {  	v63 =	vld [tilespmem:s14+$0x30];
	_ =	sdelay $0x3  }
0x56: {  	v0 =	vshll.u32 v0, $0xA  }
0x57: {  	v0 =	vor.u32 v63, v0  }
0x58: {  	s19 =	simm.s32 $0x100C0;
	s18 =	simm.s32 $0x0;
	[tilespmem:s15+$0x30] =	vst v0  }
.LBB2_3:
0x59: {  	v0 =	vld [tilespmem:s19+$0xFFFFFFC0];
	s18 =	sadd.s32 $0x8, s18;
	s14 =	sadd.s32 $0x80, s14  }
0x5a: {  	v1 =	vld [tilespmem:s14+$0xFFFFFFC0];
	p0 =	slt.u32 s18, $0xF8;
	_ =	sdelay $0x3  }
0x5b: {  	v0 =	vshll.u32 v0, $0xA  }
0x5c: {  	s15 =	sadd.s32 $0x80, s15;
	v0 =	vor.u32 v1, v0  }
0x5d: {  	[tilespmem:s15+$0xFFFFFFC0] =	vst v0  }
0x5e: {  	v0 =	vld [tilespmem:s19+$0xFFFFFFD0]  }
0x5f: {  	v1 =	vld [tilespmem:s14+$0xFFFFFFD0];
	_ =	sdelay $0x3  }
0x60: {  	v0 =	vshll.u32 v0, $0xA  }
0x61: {  	v0 =	vor.u32 v1, v0  }
0x62: {  	[tilespmem:s15+$0xFFFFFFD0] =	vst v0  }
0x63: {  	v0 =	vld [tilespmem:s19+$0xFFFFFFE0]  }
0x64: {  	v1 =	vld [tilespmem:s14+$0xFFFFFFE0];
	_ =	sdelay $0x3  }
0x65: {  	v0 =	vshll.u32 v0, $0xA  }
0x66: {  	v0 =	vor.u32 v1, v0  }
0x67: {  	[tilespmem:s15+$0xFFFFFFE0] =	vst v0  }
0x68: {  	v0 =	vld [tilespmem:s19+$0xFFFFFFF0]  }
0x69: {  	v1 =	vld [tilespmem:s14+$0xFFFFFFF0];
	_ =	sdelay $0x3  }
0x6a: {  	v0 =	vshll.u32 v0, $0xA  }
0x6b: {  	v0 =	vor.u32 v1, v0  }
0x6c: {  	[tilespmem:s15+$0xFFFFFFF0] =	vst v0  }
0x6d: {  	v0 =	vld [tilespmem:s19+$0x0]  }
0x6e: {  	v1 =	vld [tilespmem:s14+$0x0];
	_ =	sdelay $0x3  }
0x6f: {  	v0 =	vshll.u32 v0, $0xA  }
0x70: {  	v0 =	vor.u32 v1, v0  }
0x71: {  	[tilespmem:s15+$0x0] =	vst v0  }
0x72: {  	v0 =	vld [tilespmem:s19+$0x10]  }
0x73: {  	v1 =	vld [tilespmem:s14+$0x10];
	_ =	sdelay $0x3  }
0x74: {  	v0 =	vshll.u32 v0, $0xA  }
0x75: {  	v0 =	vor.u32 v1, v0  }
0x76: {  	[tilespmem:s15+$0x10] =	vst v0  }
0x77: {  	v0 =	vld [tilespmem:s19+$0x20]  }
0x78: {  	v1 =	vld [tilespmem:s14+$0x20];
	_ =	sdelay $0x3  }
0x79: {  	v0 =	vshll.u32 v0, $0xA  }
0x7a: {  	v0 =	vor.u32 v1, v0  }
0x7b: {  	[tilespmem:s15+$0x20] =	vst v0  }
0x7c: {  	v0 =	vld [tilespmem:s19+$0x30]  }
0x7d: {  	v1 =	vld [tilespmem:s14+$0x30];
	_ =	sdelay $0x1  }
.Ltmp0:
0x7e: {  	(pc) =	sbr.rel @p0 .LBB2_3-.Ltmp0, $4  }
0x7f: {  	_ = 	snop  }
0x80: {  	v0 =	vshll.u32 v0, $0xA  }
0x81: {  	v0 =	vor.u32 v1, v0  }
0x82: {  	s19 =	sadd.s32 $0x80, s19;
	[tilespmem:s15+$0x30] =	vst v0  }
0x83: {  	p0 =	sne.s32 s9, $0x0  }
.Ltmp1:
0x84: {  	_ = 	snop;
	(pc) =	sbr.rel @!p0 .LBB2_5-.Ltmp1, $1  }
0x85: {  	_ =	sdelay $0x3  }
0x86: {  	_ =	swait.ge [sflag:s0], $0x1000  }
0x87: {  	[sflag:s0] =	ssyncset.done $0x0  }
0x88: {  	p0 =	seq.s32 s9, $0xF;
	[sflag:s0] =	ssyncadd.s32 $0xFFFFF000  }
0x89: {  	[tilespmem:s25], [sflag:$0x3] =	stream.indirect.gather [spmem:s4], $0x1, s24, s23, $0xb8;
	[tilespmem:$0x18000] =	vst v63  }
.Ltmp2:
0x8a: {  	_ = 	snop;
	(pc) =	sbr.rel @p0 .LBB2_8-.Ltmp2, $4  }
.Ltmp3:
0x8b: {  	s14 =	sadd.s32 s11, s12;
	_ =	swait.ge [sflag:s31], $0x1000;
	(pc) =	sbr.rel @!p0 .LBB2_7-.Ltmp3, $4  }
0x8c: {  	s14 =	sshrl.u32 s14, $0x3;
	[sflag:s31] =	ssyncset.done $0x0  }
0x8d: {  	s14 =	sadd.s32 s3, s14;
	[sflag:s31] =	ssyncadd.s32 $0xFFFFF000  }
0x8e: {  	[hbm4b:s14+s6] =	stream.linear.scatter [tilespmem:s29], [sflag:$0x6], $0x1000, $0x38;
	[tilespmem:$0x18000] =	vst v63  }
0x8f: {  	_ = 	snop  }
.LBB2_5:
0x90: {  	[tilespmem:s25], [sflag:$0x3] =	stream.indirect.gather [spmem:s4], $0x1, s24, s23, $0xb8;
	[tilespmem:$0x18000] =	vst v63  }
.LBB2_7:
0x91: {  	s11 =	sadd.s32 s11, s13  }
0x92: {  	s11 =	sshrl.u32 s11, $0x3  }
0x93: {  	s14 =	sadd.s32 s1, s11  }
0x94: {  	[tilespmem:s16], [sflag:$0x1] =	stream.linear.gather [hbm4b:s14+s6], $0x1000, $0x38;
	[tilespmem:$0x18000] =	vst v63  }
0x95: {  	s11 =	sadd.s32 s2, s11  }
0x96: {  	[tilespmem:s17], [sflag:$0x1] =	stream.linear.gather [hbm4b:s11+s6], $0x1000, $0x38;
	[tilespmem:$0x18000] =	vst v63  }
.LBB2_8:
0x97: {  	_ =	swait.ge [sflag:s26], $0x1000  }
0x98: {  	[sflag:s26] =	ssyncset.done $0x0  }
0x99: {  	[sflag:s26] =	ssyncadd.s32 $0xFFFFF000  }
0x9a: {  	_ =	swait.ge [sflag:s26], $0x1000  }
0x9b: {  	[sflag:s26] =	ssyncset.done $0x0  }
0x9c: {  	s15 =	simm.s32 $0x11040;
	[sflag:s26] =	ssyncadd.s32 $0xFFFFF000  }
0x9d: {  	s11 =	simm.s32 $0x13040;
	v0 =	vld [tilespmem:s15+$0xFFFFFFC0]  }
0x9e: {  	v1 =	vld [tilespmem:s11+$0xFFFFFFC0];
	_ =	sdelay $0x3  }
0x9f: {  	v0 =	vshll.u32 v0, $0xA  }
0xa0: {  	s14 =	simm.s32 $0x15040;
	v0 =	vor.u32 v1, v0  }
0xa1: {  	[tilespmem:s14+$0xFFFFFFC0] =	vst v0  }
0xa2: {  	v0 =	vld [tilespmem:s15+$0xFFFFFFD0]  }
0xa3: {  	v57 =	vld [tilespmem:s11+$0xFFFFFFD0];
	_ =	sdelay $0x3  }
0xa4: {  	v0 =	vshll.u32 v0, $0xA  }
0xa5: {  	v0 =	vor.u32 v57, v0  }
0xa6: {  	[tilespmem:s14+$0xFFFFFFD0] =	vst v0  }
0xa7: {  	v0 =	vld [tilespmem:s15+$0xFFFFFFE0]  }
0xa8: {  	v58 =	vld [tilespmem:s11+$0xFFFFFFE0];
	_ =	sdelay $0x3  }
0xa9: {  	v0 =	vshll.u32 v0, $0xA  }
0xaa: {  	v0 =	vor.u32 v58, v0  }
0xab: {  	[tilespmem:s14+$0xFFFFFFE0] =	vst v0  }
0xac: {  	v0 =	vld [tilespmem:s15+$0xFFFFFFF0]  }
0xad: {  	v59 =	vld [tilespmem:s11+$0xFFFFFFF0];
	_ =	sdelay $0x3  }
0xae: {  	v0 =	vshll.u32 v0, $0xA  }
0xaf: {  	v0 =	vor.u32 v59, v0  }
0xb0: {  	[tilespmem:s14+$0xFFFFFFF0] =	vst v0  }
0xb1: {  	v0 =	vld [tilespmem:s15+$0x0]  }
0xb2: {  	v60 =	vld [tilespmem:s11+$0x0];
	_ =	sdelay $0x3  }
0xb3: {  	v0 =	vshll.u32 v0, $0xA  }
0xb4: {  	v0 =	vor.u32 v60, v0  }
0xb5: {  	[tilespmem:s14+$0x0] =	vst v0  }
0xb6: {  	v0 =	vld [tilespmem:s15+$0x10]  }
0xb7: {  	v61 =	vld [tilespmem:s11+$0x10];
	_ =	sdelay $0x3  }
0xb8: {  	v0 =	vshll.u32 v0, $0xA  }
0xb9: {  	v0 =	vor.u32 v61, v0  }
0xba: {  	[tilespmem:s14+$0x10] =	vst v0  }
0xbb: {  	v0 =	vld [tilespmem:s15+$0x20]  }
0xbc: {  	v62 =	vld [tilespmem:s11+$0x20];
	_ =	sdelay $0x3  }
0xbd: {  	v0 =	vshll.u32 v0, $0xA  }
0xbe: {  	v0 =	vor.u32 v62, v0  }
0xbf: {  	[tilespmem:s14+$0x20] =	vst v0  }
0xc0: {  	v0 =	vld [tilespmem:s15+$0x30]  }
0xc1: {  	v63 =	vld [tilespmem:s11+$0x30];
	_ =	sdelay $0x3  }
0xc2: {  	v0 =	vshll.u32 v0, $0xA  }
0xc3: {  	v0 =	vor.u32 v63, v0  }
0xc4: {  	s18 =	simm.s32 $0x110C0;
	s15 =	simm.s32 $0x0;
	[tilespmem:s14+$0x30] =	vst v0  }
.LBB2_9:
0xc5: {  	v0 =	vld [tilespmem:s18+$0xFFFFFFC0];
	s15 =	sadd.s32 $0x8, s15;
	s11 =	sadd.s32 $0x80, s11  }
0xc6: {  	v1 =	vld [tilespmem:s11+$0xFFFFFFC0];
	p0 =	slt.u32 s15, $0xF8;
	_ =	sdelay $0x3  }
0xc7: {  	v0 =	vshll.u32 v0, $0xA  }
0xc8: {  	s14 =	sadd.s32 $0x80, s14;
	v0 =	vor.u32 v1, v0  }
0xc9: {  	[tilespmem:s14+$0xFFFFFFC0] =	vst v0  }
0xca: {  	v0 =	vld [tilespmem:s18+$0xFFFFFFD0]  }
0xcb: {  	v1 =	vld [tilespmem:s11+$0xFFFFFFD0];
	_ =	sdelay $0x3  }
0xcc: {  	v0 =	vshll.u32 v0, $0xA  }
0xcd: {  	v0 =	vor.u32 v1, v0  }
0xce: {  	[tilespmem:s14+$0xFFFFFFD0] =	vst v0  }
0xcf: {  	v0 =	vld [tilespmem:s18+$0xFFFFFFE0]  }
0xd0: {  	v1 =	vld [tilespmem:s11+$0xFFFFFFE0];
	_ =	sdelay $0x3  }
0xd1: {  	v0 =	vshll.u32 v0, $0xA  }
0xd2: {  	v0 =	vor.u32 v1, v0  }
0xd3: {  	[tilespmem:s14+$0xFFFFFFE0] =	vst v0  }
0xd4: {  	v0 =	vld [tilespmem:s18+$0xFFFFFFF0]  }
0xd5: {  	v1 =	vld [tilespmem:s11+$0xFFFFFFF0];
	_ =	sdelay $0x3  }
0xd6: {  	v0 =	vshll.u32 v0, $0xA  }
0xd7: {  	v0 =	vor.u32 v1, v0  }
0xd8: {  	[tilespmem:s14+$0xFFFFFFF0] =	vst v0  }
0xd9: {  	v0 =	vld [tilespmem:s18+$0x0]  }
0xda: {  	v1 =	vld [tilespmem:s11+$0x0];
	_ =	sdelay $0x3  }
0xdb: {  	v0 =	vshll.u32 v0, $0xA  }
0xdc: {  	v0 =	vor.u32 v1, v0  }
0xdd: {  	[tilespmem:s14+$0x0] =	vst v0  }
0xde: {  	v0 =	vld [tilespmem:s18+$0x10]  }
0xdf: {  	v1 =	vld [tilespmem:s11+$0x10];
	_ =	sdelay $0x3  }
0xe0: {  	v0 =	vshll.u32 v0, $0xA  }
0xe1: {  	v0 =	vor.u32 v1, v0  }
0xe2: {  	[tilespmem:s14+$0x10] =	vst v0  }
0xe3: {  	v0 =	vld [tilespmem:s18+$0x20]  }
0xe4: {  	v1 =	vld [tilespmem:s11+$0x20];
	_ =	sdelay $0x3  }
0xe5: {  	v0 =	vshll.u32 v0, $0xA  }
0xe6: {  	v0 =	vor.u32 v1, v0  }
0xe7: {  	[tilespmem:s14+$0x20] =	vst v0  }
0xe8: {  	v0 =	vld [tilespmem:s18+$0x30]  }
0xe9: {  	v1 =	vld [tilespmem:s11+$0x30];
	_ =	sdelay $0x1  }
.Ltmp4:
0xea: {  	(pc) =	sbr.rel @p0 .LBB2_9-.Ltmp4, $4  }
0xeb: {  	_ = 	snop  }
0xec: {  	v0 =	vshll.u32 v0, $0xA  }
0xed: {  	v0 =	vor.u32 v1, v0  }
0xee: {  	s18 =	sadd.s32 $0x80, s18;
	[tilespmem:s14+$0x30] =	vst v0  }
0xef: {  	p0 =	seq.s32 s9, $0x0  }
0xf0: {  	s11 =	simm.s32 @!p0 $0x6  }
0xf1: {  	_ =	swait.ge @!p0 [sflag:s11], $0x1000  }
0xf2: {  	s9 =	sadd.s32 $0x1, s9;
	[sflag:s11] =	ssyncset.done @!p0 $0x0  }
0xf3: {  	[sflag:s11] =	ssyncadd.s32 @!p0 $0xFFFFF000;
	p0 =	sne.s32 s9, $0x10  }
0xf4: {  	[tilespmem:s29], [sflag:$0x4] =	stream.indirect.gather [spmem:s4], $0x1, s28, s23, $0xb8;
	[tilespmem:$0x18000] =	vst v63  }
.Ltmp5:
0xf5: {  	_ = 	snop;
	(pc) =	sbr.rel @p0 .LBB2_2-.Ltmp5, $4  }
0xf6: {  	_ =	swait.ge [sflag:s30], $0x1000  }
0xf7: {  	[sflag:s30] =	ssyncset.done $0x0  }
0xf8: {  	s10 =	sadd.s32 s3, s10;
	[sflag:s30] =	ssyncadd.s32 $0xFFFFF000  }
0xf9: {  	[hbm4b:s10+s6] =	stream.linear.scatter [tilespmem:s25], [sflag:$0x5], $0x1000, $0x38;
	[tilespmem:$0x18000] =	vst v63  }
0xfa: {  	_ =	swait.ge [sflag:s31], $0x1000  }
0xfb: {  	[sflag:s31] =	ssyncset.done $0x0  }
0xfc: {  	s9 =	rddreg [dreg:$0xa];
	[sflag:s31] =	ssyncadd.s32 $0xFFFFF000  }
0xfd: {  	[hbm4b:s9+s6] =	stream.linear.scatter [tilespmem:s29], [sflag:$0x6], $0x1000, $0x38;
	[tilespmem:$0x18000] =	vst v63  }
0xfe: {  	_ =	swait.ge [sflag:s0], $0x1000  }
0xff: {  	[sflag:s0] =	ssyncset.done $0x0  }
0x100: {  	[sflag:s0] =	ssyncadd.s32 $0xFFFFF000  }
0x101: {  	_ =	swait.ge [sflag:s5], $0x1000  }
0x102: {  	s8 =	sadd.s32 $0x1, s8;
	s19 =	rddreg [dreg:$0xb]  }
0x103: {  	p0 =	sne.s32 s8, s19  }
.Ltmp6:
0x104: {  	_ = 	snop;
	(pc) =	sbr.rel @p0 .LBB2_1-.Ltmp6, $3  }
0x105: {  	_ =	sdelay $0x1  }
0x106: {  	[sflag:s5] =	ssyncset.done $0x0  }
0x107: {  	[sflag:s5] =	ssyncadd.s32 $0xFFFFF000  }
0x108: {  	_ =	sfence.sel $0x180000  }
0x109: {  	[bflag:$0x0] =	sbarrier.arrive $0xFFFF  }
0x10a: {  	_ =	strace $0x90000047  }
0x10b: {  	s0 =	stileid.u32;
	[bflag:$0x2] =	sbarrier.arrive $0xFFFF  }
0x10c: {  	p0 =	sne.s32 s0, $0x0;
	s0 =	rddreg [dreg:$0x5]  }
0x10d: {  	s0 =	sadd.s32 @!p0 $0x100000, s0  }
0x10e: {  	[sflag:s0] =	ssyncadd.tile.s32 @!p0 $0x1;
	_ =	shalt  }
.Lfunc_end2:
_tile_overlayer_lowered:
.L_overlay_start_2:
0x10f: {  	(tag) =	ssettag $0x2  }
0x110: {  	s0 =	rddreg [dreg:$0x0];
	s2 =	stileid.u32  }
0x111: {  	s1 =	rddreg [dreg:$0x1];
	p0 =	sne.s32 s2, $0x0  }
0x112: {  	s3 =	rddreg [dreg:$0x2];
	[bflag:$0x3] =	sbarrier.arrive $0xFFFF;
	s2 =	simm.s32 @!p0 $0x1C07  }
0x113: {  	[timem:s3], [sflag:s2] =	dma.local @!p0 [hbm:s0], s1  }
0x114: {  	s0 =	simm.s32 @!p0 $0x7  }
0x115: {  	_ =	swait.ge @!p0 [sflag:s0], s1  }
0x116: {  	s1 =	ssub.s32 @!p0 $0x0, s1;
	[sflag:s0] =	ssyncset.done @!p0 $0x0  }
0x117: {  	[sflag:s0] =	ssyncadd.s32 @!p0 s1  }
0x118: {  	[bflag:$0x3] =	sbarrier.arrive $0xFFFF  }
0x119: {  	_ =	shalt  }

</sc_bundles>
